<compile_context>
chip_gen: v7x
topology: tpu7x:2x2x1
jax: 0.10.2.dev20260603
libtpu: 0.0.44.dev20260713+nightly
codegen_flags: <defaults>
</compile_context>

<pallas_src>
import functools

import jax
import jax.numpy as jnp
from jax import lax
from jax.experimental import pallas as pl
from jax.experimental.pallas import tpu as pltpu
from jax.experimental.pallas import tpu_sc as plsc

_L = 16


@functools.lru_cache(maxsize=None)
def _build(B, V, D, nc, ns):
    nw = nc * ns
    b_per_w = B // nw
    n_groups = b_per_w // _L
    nfull = V // 128
    mesh = plsc.VectorSubcoreMesh(core_axis_name="c", subcore_axis_name="s")

    @functools.partial(
        pl.kernel,
        mesh=mesh,
        out_type=jax.ShapeDtypeStruct((D, B), jnp.float32),
        scratch_types=[
            pltpu.VMEM((b_per_w,), jnp.int32),
            pltpu.VMEM((_L, D, 128), jnp.float32),
            pltpu.VMEM((D, b_per_w), jnp.float32),
            [pltpu.SemaphoreType.DMA for _ in range(_L)],
        ],
        compiler_params=pltpu.CompilerParams(
            use_tc_tiling_on_sc=True, needs_layout_passes=False
        ),
    )
    def gather_kernel(idx_hbm, table_hbm, tail_hbm, out_hbm, idx_v, blk_v, out_v, sems):
        wid = lax.axis_index("s") * nc + lax.axis_index("c")
        pltpu.sync_copy(idx_hbm.at[wid], idx_v)
        iota = lax.iota(jnp.int32, _L)

        def fetch(slot, i):
            blkid = i >> 7

            @pl.when(blkid != nfull)
            def _():
                off = pl.multiple_of(blkid * 128, 128)
                pltpu.async_copy(
                    table_hbm.at[:, pl.ds(off, 128)], blk_v.at[slot], sems[slot]
                )

            @pl.when(blkid == nfull)
            def _():
                pltpu.async_copy(tail_hbm, blk_v.at[slot], sems[slot])

        def extract(slot, i, r):
            pltpu.make_async_copy(
                table_hbm.at[:, pl.ds(0, 128)], blk_v.at[slot], sems[slot]
            ).wait()
            word = jnp.full((_L,), i & 127, jnp.int32)
            vals = plsc.load_gather(blk_v.at[slot], [iota, word])
            plsc.store_scatter(out_v, [iota, jnp.full((_L,), r, jnp.int32)], vals)

        def group(g, carry):
            it0 = g * _L
            iv = idx_v[pl.ds(it0, _L)]
            for r in range(_L):
                fetch(r, iv[r])
            for r in range(_L):
                extract(r, iv[r], it0 + r)
            return carry

        lax.fori_loop(0, n_groups, group, 0)

        base = pl.multiple_of(wid * b_per_w, 128)
        pltpu.sync_copy(out_v, out_hbm.at[:, pl.ds(base, b_per_w)])

    return gather_kernel


def kernel(idx, context_hat):
    B = idx.shape[0]
    V, D = context_hat.shape
    info = plsc.get_sparse_core_info()
    nc, ns = info.num_cores, info.num_subcores
    nw = nc * ns
    idx_2d = idx.reshape(B).astype(jnp.int32).reshape(nw, B // nw)
    rem = V % 128
    tail = jnp.zeros((D, 128), jnp.float32).at[:, :rem].set(context_hat[V - rem :].T)
    out_t = _build(B, V, D, nc, ns)(idx_2d, context_hat.T, tail)
    return out_t.T

# --- scband reference (transcript-rebuilt; emitter-appended) ---
"""Pipeline reference for scband-context-model-74010876445088 (READ-ONLY COPY).

The authoritative reference and input builder live on the scoring server;
editing this copy changes nothing except your own understanding.
"""

import jax, jax.numpy as jnp
import numpy as np

TASK_NUM = 1000000
MAX_CONTEXT_DIM = 16
BATCH = 16384

def setup_inputs(seed: int = 0) -> dict:
    key = jax.random.key(seed)
    k_idx, k_tab = jax.random.split(key)
    idx = jax.random.randint(k_idx, (BATCH, 1), 0, TASK_NUM, dtype=jnp.int64 if jax.config.jax_enable_x64 else jnp.int32)
    context_hat = jax.random.normal(k_tab, (TASK_NUM, MAX_CONTEXT_DIM), dtype=jnp.float32)
    return {"idx": idx, "context_hat": context_hat}

def reference(idx, context_hat):
    # Faithful translation of ContextModel.forward with idx provided:
    # assert idx.shape[-1] == 1; return context_hat[idx[..., 0]]
    assert idx.shape[-1] == 1
    return jnp.take(context_hat, idx[..., 0], axis=0)

if __name__ == "__main__":
    import jax
    _d = setup_inputs()
    print(jax.jit(kernel)(*tuple(_d.values())))

</pallas_src>

<mosaic_0001>
#map = affine_map<(d0, d1) -> (0, 0)>
module attributes {stable_mosaic.version = 14 : i64} {
  func.func @gather_kernel(%arg0: i32, %arg1: i32, %arg2: memref<32x512xi32, #tpu.memory_space<hbm>>, %arg3: memref<16x1000000xf32, #tpu.memory_space<hbm>>, %arg4: memref<16x128xf32, #tpu.memory_space<hbm>>, %arg5: memref<16x16384xf32, #tpu.memory_space<hbm>>, %arg6: memref<512xi32, #tpu.memory_space<vmem>>, %arg7: memref<16x16x128xf32, #tpu.memory_space<vmem>>, %arg8: memref<16x512xf32, #tpu.memory_space<vmem>>, %arg9: memref<!tpu.dma_semaphore, #tpu.memory_space<semaphore_mem>>, %arg10: memref<!tpu.dma_semaphore, #tpu.memory_space<semaphore_mem>>, %arg11: memref<!tpu.dma_semaphore, #tpu.memory_space<semaphore_mem>>, %arg12: memref<!tpu.dma_semaphore, #tpu.memory_space<semaphore_mem>>, %arg13: memref<!tpu.dma_semaphore, #tpu.memory_space<semaphore_mem>>, %arg14: memref<!tpu.dma_semaphore, #tpu.memory_space<semaphore_mem>>, %arg15: memref<!tpu.dma_semaphore, #tpu.memory_space<semaphore_mem>>, %arg16: memref<!tpu.dma_semaphore, #tpu.memory_space<semaphore_mem>>, %arg17: memref<!tpu.dma_semaphore, #tpu.memory_space<semaphore_mem>>, %arg18: memref<!tpu.dma_semaphore, #tpu.memory_space<semaphore_mem>>, %arg19: memref<!tpu.dma_semaphore, #tpu.memory_space<semaphore_mem>>, %arg20: memref<!tpu.dma_semaphore, #tpu.memory_space<semaphore_mem>>, %arg21: memref<!tpu.dma_semaphore, #tpu.memory_space<semaphore_mem>>, %arg22: memref<!tpu.dma_semaphore, #tpu.memory_space<semaphore_mem>>, %arg23: memref<!tpu.dma_semaphore, #tpu.memory_space<semaphore_mem>>, %arg24: memref<!tpu.dma_semaphore, #tpu.memory_space<semaphore_mem>>) attributes {dimension_semantics = [#tpu.dimension_semantics<core_parallel>, #tpu.dimension_semantics<subcore_parallel>], iteration_bounds = array<i64: 2, 16>, scalar_prefetch = 0 : i64, scratch_operands = 19 : i64, tpu.core_type = #tpu.core_type<sc_vector_subcore>, window_params = [{transform_indices = #map}, {transform_indices = #map}, {transform_indices = #map}, {transform_indices = #map}]} {
    %mul3A = arith.constant 2 : i32
    %mul3A_0 = arith.muli %arg1, %mul3A : i32
    %add3A = arith.addi %mul3A_0, %arg0 : i32
    "tpu.region"() ({
      %run_scoped3A = tpu.sem_alloc : memref<!tpu.dma_semaphore, #tpu.memory_space<semaphore_mem>>
      %dma_start3A = arith.constant 0 : i32
      %dma_start3A_8 = tpu.memref_slice %arg2[%add3A, %dma_start3A] : memref<32x512xi32, #tpu.memory_space<hbm>> -> memref<1x512xi32, #tpu.memory_space<hbm>>
      %dma_start3A_9 = tpu.memref_squeeze %dma_start3A_8 : memref<1x512xi32, #tpu.memory_space<hbm>> -> memref<512xi32, #tpu.memory_space<hbm>>
      %dma_start3A_10 = arith.constant 0 : i32
      %dma_start3A_11 = tpu.memref_slice %arg2[%add3A, %dma_start3A_10] : memref<32x512xi32, #tpu.memory_space<hbm>> -> memref<1x512xi32, #tpu.memory_space<hbm>>
      %dma_start3A_12 = tpu.memref_squeeze %dma_start3A_11 : memref<1x512xi32, #tpu.memory_space<hbm>> -> memref<512xi32, #tpu.memory_space<hbm>>
      tpu.enqueue_dma source(%dma_start3A_12 : memref<512xi32, #tpu.memory_space<hbm>>) target(%arg6 : memref<512xi32, #tpu.memory_space<vmem>>) target_semaphore(%run_scoped3A : memref<!tpu.dma_semaphore, #tpu.memory_space<semaphore_mem>>)
      %dma_wait3A = arith.constant 0 : i32
      %dma_wait3A_13 = tpu.memref_slice %arg2[%add3A, %dma_wait3A] : memref<32x512xi32, #tpu.memory_space<hbm>> -> memref<1x512xi32, #tpu.memory_space<hbm>>
      %dma_wait3A_14 = tpu.memref_squeeze %dma_wait3A_13 : memref<1x512xi32, #tpu.memory_space<hbm>> -> memref<512xi32, #tpu.memory_space<hbm>>
      %dma_wait3A_15 = arith.constant 0 : i32
      %dma_wait3A_16 = tpu.memref_slice %arg2[%add3A, %dma_wait3A_15] : memref<32x512xi32, #tpu.memory_space<hbm>> -> memref<1x512xi32, #tpu.memory_space<hbm>>
      %dma_wait3A_17 = tpu.memref_squeeze %dma_wait3A_16 : memref<1x512xi32, #tpu.memory_space<hbm>> -> memref<512xi32, #tpu.memory_space<hbm>>
      tpu.wait_dma2 semaphore(%run_scoped3A : memref<!tpu.dma_semaphore, #tpu.memory_space<semaphore_mem>>) src(%dma_wait3A_17 : memref<512xi32, #tpu.memory_space<hbm>>) dst(%arg6 : memref<512xi32, #tpu.memory_space<vmem>>)
      tpu.yield
    }) : () -> ()
    %iota3A = tpu.iota {dimensions = array<i32: 0>} : vector<16xi32>
    %scan3A = arith.constant 0 : i32
    %scan3A_1 = arith.constant 0 : i32
    %scan3A_2 = arith.constant 32 : i32
    %scan3A_3 = arith.addi %scan3A_1, %scan3A_2 : i32
    %scan3A_4 = arith.constant 1 : i32
    scf.for %scan3A_8 = %scan3A_1 to %scan3A_3 step %scan3A_4  : i32 {
      %mul3A_9 = arith.constant 16 : i32
      %mul3A_10 = arith.muli %scan3A_8, %mul3A_9 : i32
      %get3A = arith.index_cast %mul3A_10 : i32 to index
      %get3A_11 = tpu.vector_load %arg6[%get3A] {strides = array<i32>} : memref<512xi32, #tpu.memory_space<vmem>>, vector<16xi32>,
      %slice3A = vector.extract_strided_slice %get3A_11 {offsets = [0], sizes = [1], strides = [1]} : vector<16xi32> to vector<1xi32>
      %squeeze3A = vector.extract %slice3A[0] : i32 from vector<1xi32>
      %shift_right_arithmetic3A = arith.constant 7 : i32
      %shift_right_arithmetic3A_12 = arith.shrsi %squeeze3A, %shift_right_arithmetic3A : i32
      %ne3A = arith.constant 7812 : i32
      %ne3A_13 = arith.cmpi ne, %shift_right_arithmetic3A_12, %ne3A : i32
      %convert_element_type3A = arith.extui %ne3A_13 : i1 to i32
      %cond3A = arith.constant 0 : i32
      %cond3A_14 = arith.cmpi ne, %convert_element_type3A, %cond3A : i32
      scf.if %cond3A_14 {
        %mul3A_689 = arith.constant 128 : i32
        %mul3A_690 = arith.muli %shift_right_arithmetic3A_12, %mul3A_689 : i32
        %multiple_of3A_691 = tpu.assume_multiple %mul3A_690, 128 : i32
        %dma_start3A = arith.constant 0 : i32
        %dma_start3A_692 = arith.constant 0 : i32
        %dma_start3A_693 = arith.constant 0 : i32
        %dma_start3A_694 = tpu.memref_slice %arg7[%dma_start3A, %dma_start3A_692, %dma_start3A_693] : memref<16x16x128xf32, #tpu.memory_space<vmem>> -> memref<1x16x128xf32, #tpu.memory_space<vmem>>
        %dma_start3A_695 = tpu.memref_squeeze %dma_start3A_694 : memref<1x16x128xf32, #tpu.memory_space<vmem>> -> memref<16x128xf32, #tpu.memory_space<vmem>>
        %dma_start3A_696 = arith.constant 0 : i32
        %dma_start3A_697 = tpu.memref_slice %arg3[%dma_start3A_696, %multiple_of3A_691] : memref<16x1000000xf32, #tpu.memory_space<hbm>> -> memref<16x128xf32, #tpu.memory_space<hbm>>
        %dma_start3A_698 = arith.constant 0 : i32
        %dma_start3A_699 = arith.constant 0 : i32
        %dma_start3A_700 = tpu.memref_slice %arg7[%dma_start3A, %dma_start3A_698, %dma_start3A_699] : memref<16x16x128xf32, #tpu.memory_space<vmem>> -> memref<1x16x128xf32, #tpu.memory_space<vmem>>
        %dma_start3A_701 = tpu.memref_squeeze %dma_start3A_700 : memref<1x16x128xf32, #tpu.memory_space<vmem>> -> memref<16x128xf32, #tpu.memory_space<vmem>>
        %dma_start3A_702 = arith.constant 0 : i32
        %dma_start3A_703 = tpu.memref_slice %arg3[%dma_start3A_702, %multiple_of3A_691] : memref<16x1000000xf32, #tpu.memory_space<hbm>> -> memref<16x128xf32, #tpu.memory_space<hbm>>
        tpu.enqueue_dma source(%dma_start3A_703 : memref<16x128xf32, #tpu.memory_space<hbm>>) target(%dma_start3A_701 : memref<16x128xf32, #tpu.memory_space<vmem>>) target_semaphore(%arg9 : memref<!tpu.dma_semaphore, #tpu.memory_space<semaphore_mem>>)
      } else {
      }
      %eq3A = arith.constant 7812 : i32
      %eq3A_15 = arith.cmpi eq, %shift_right_arithmetic3A_12, %eq3A : i32
      %convert_element_type3A_16 = arith.extui %eq3A_15 : i1 to i32
      %cond3A_17 = arith.constant 0 : i32
      %cond3A_18 = arith.cmpi ne, %convert_element_type3A_16, %cond3A_17 : i32
      scf.if %cond3A_18 {
        %dma_start3A = arith.constant 0 : i32
        %dma_start3A_689 = arith.constant 0 : i32
        %dma_start3A_690 = arith.constant 0 : i32
        %dma_start3A_691 = tpu.memref_slice %arg7[%dma_start3A, %dma_start3A_689, %dma_start3A_690] : memref<16x16x128xf32, #tpu.memory_space<vmem>> -> memref<1x16x128xf32, #tpu.memory_space<vmem>>
        %dma_start3A_692 = tpu.memref_squeeze %dma_start3A_691 : memref<1x16x128xf32, #tpu.memory_space<vmem>> -> memref<16x128xf32, #tpu.memory_space<vmem>>
        %dma_start3A_693 = arith.constant 0 : i32
        %dma_start3A_694 = arith.constant 0 : i32
        %dma_start3A_695 = tpu.memref_slice %arg7[%dma_start3A, %dma_start3A_693, %dma_start3A_694] : memref<16x16x128xf32, #tpu.memory_space<vmem>> -> memref<1x16x128xf32, #tpu.memory_space<vmem>>
        %dma_start3A_696 = tpu.memref_squeeze %dma_start3A_695 : memref<1x16x128xf32, #tpu.memory_space<vmem>> -> memref<16x128xf32, #tpu.memory_space<vmem>>
        tpu.enqueue_dma source(%arg4 : memref<16x128xf32, #tpu.memory_space<hbm>>) target(%dma_start3A_696 : memref<16x128xf32, #tpu.memory_space<vmem>>) target_semaphore(%arg9 : memref<!tpu.dma_semaphore, #tpu.memory_space<semaphore_mem>>)
      } else {
      }
      %slice3A_19 = vector.extract_strided_slice %get3A_11 {offsets = [1], sizes = [1], strides = [1]} : vector<16xi32> to vector<1xi32>
      %squeeze3A_20 = vector.extract %slice3A_19[0] : i32 from vector<1xi32>
      %shift_right_arithmetic3A_21 = arith.constant 7 : i32
      %shift_right_arithmetic3A_22 = arith.shrsi %squeeze3A_20, %shift_right_arithmetic3A_21 : i32
      %ne3A_23 = arith.constant 7812 : i32
      %ne3A_24 = arith.cmpi ne, %shift_right_arithmetic3A_22, %ne3A_23 : i32
      %convert_element_type3A_25 = arith.extui %ne3A_24 : i1 to i32
      %cond3A_26 = arith.constant 0 : i32
      %cond3A_27 = arith.cmpi ne, %convert_element_type3A_25, %cond3A_26 : i32
      scf.if %cond3A_27 {
        %mul3A_689 = arith.constant 128 : i32
        %mul3A_690 = arith.muli %shift_right_arithmetic3A_22, %mul3A_689 : i32
        %multiple_of3A_691 = tpu.assume_multiple %mul3A_690, 128 : i32
        %dma_start3A = arith.constant 1 : i32
        %dma_start3A_692 = arith.constant 0 : i32
        %dma_start3A_693 = arith.constant 0 : i32
        %dma_start3A_694 = tpu.memref_slice %arg7[%dma_start3A, %dma_start3A_692, %dma_start3A_693] : memref<16x16x128xf32, #tpu.memory_space<vmem>> -> memref<1x16x128xf32, #tpu.memory_space<vmem>>
        %dma_start3A_695 = tpu.memref_squeeze %dma_start3A_694 : memref<1x16x128xf32, #tpu.memory_space<vmem>> -> memref<16x128xf32, #tpu.memory_space<vmem>>
        %dma_start3A_696 = arith.constant 0 : i32
        %dma_start3A_697 = tpu.memref_slice %arg3[%dma_start3A_696, %multiple_of3A_691] : memref<16x1000000xf32, #tpu.memory_space<hbm>> -> memref<16x128xf32, #tpu.memory_space<hbm>>
        %dma_start3A_698 = arith.constant 0 : i32
        %dma_start3A_699 = arith.constant 0 : i32
        %dma_start3A_700 = tpu.memref_slice %arg7[%dma_start3A, %dma_start3A_698, %dma_start3A_699] : memref<16x16x128xf32, #tpu.memory_space<vmem>> -> memref<1x16x128xf32, #tpu.memory_space<vmem>>
        %dma_start3A_701 = tpu.memref_squeeze %dma_start3A_700 : memref<1x16x128xf32, #tpu.memory_space<vmem>> -> memref<16x128xf32, #tpu.memory_space<vmem>>
        %dma_start3A_702 = arith.constant 0 : i32
        %dma_start3A_703 = tpu.memref_slice %arg3[%dma_start3A_702, %multiple_of3A_691] : memref<16x1000000xf32, #tpu.memory_space<hbm>> -> memref<16x128xf32, #tpu.memory_space<hbm>>
        tpu.enqueue_dma source(%dma_start3A_703 : memref<16x128xf32, #tpu.memory_space<hbm>>) target(%dma_start3A_701 : memref<16x128xf32, #tpu.memory_space<vmem>>) target_semaphore(%arg10 : memref<!tpu.dma_semaphore, #tpu.memory_space<semaphore_mem>>)
      } else {
      }
      %eq3A_28 = arith.constant 7812 : i32
      %eq3A_29 = arith.cmpi eq, %shift_right_arithmetic3A_22, %eq3A_28 : i32
      %convert_element_type3A_30 = arith.extui %eq3A_29 : i1 to i32
      %cond3A_31 = arith.constant 0 : i32
      %cond3A_32 = arith.cmpi ne, %convert_element_type3A_30, %cond3A_31 : i32
      scf.if %cond3A_32 {
        %dma_start3A = arith.constant 1 : i32
        %dma_start3A_689 = arith.constant 0 : i32
        %dma_start3A_690 = arith.constant 0 : i32
        %dma_start3A_691 = tpu.memref_slice %arg7[%dma_start3A, %dma_start3A_689, %dma_start3A_690] : memref<16x16x128xf32, #tpu.memory_space<vmem>> -> memref<1x16x128xf32, #tpu.memory_space<vmem>>
        %dma_start3A_692 = tpu.memref_squeeze %dma_start3A_691 : memref<1x16x128xf32, #tpu.memory_space<vmem>> -> memref<16x128xf32, #tpu.memory_space<vmem>>
        %dma_start3A_693 = arith.constant 0 : i32
        %dma_start3A_694 = arith.constant 0 : i32
        %dma_start3A_695 = tpu.memref_slice %arg7[%dma_start3A, %dma_start3A_693, %dma_start3A_694] : memref<16x16x128xf32, #tpu.memory_space<vmem>> -> memref<1x16x128xf32, #tpu.memory_space<vmem>>
        %dma_start3A_696 = tpu.memref_squeeze %dma_start3A_695 : memref<1x16x128xf32, #tpu.memory_space<vmem>> -> memref<16x128xf32, #tpu.memory_space<vmem>>
        tpu.enqueue_dma source(%arg4 : memref<16x128xf32, #tpu.memory_space<hbm>>) target(%dma_start3A_696 : memref<16x128xf32, #tpu.memory_space<vmem>>) target_semaphore(%arg10 : memref<!tpu.dma_semaphore, #tpu.memory_space<semaphore_mem>>)
      } else {
      }
      %slice3A_33 = vector.extract_strided_slice %get3A_11 {offsets = [2], sizes = [1], strides = [1]} : vector<16xi32> to vector<1xi32>
      %squeeze3A_34 = vector.extract %slice3A_33[0] : i32 from vector<1xi32>
      %shift_right_arithmetic3A_35 = arith.constant 7 : i32
      %shift_right_arithmetic3A_36 = arith.shrsi %squeeze3A_34, %shift_right_arithmetic3A_35 : i32
      %ne3A_37 = arith.constant 7812 : i32
      %ne3A_38 = arith.cmpi ne, %shift_right_arithmetic3A_36, %ne3A_37 : i32
      %convert_element_type3A_39 = arith.extui %ne3A_38 : i1 to i32
      %cond3A_40 = arith.constant 0 : i32
      %cond3A_41 = arith.cmpi ne, %convert_element_type3A_39, %cond3A_40 : i32
      scf.if %cond3A_41 {
        %mul3A_689 = arith.constant 128 : i32
        %mul3A_690 = arith.muli %shift_right_arithmetic3A_36, %mul3A_689 : i32
        %multiple_of3A_691 = tpu.assume_multiple %mul3A_690, 128 : i32
        %dma_start3A = arith.constant 2 : i32
        %dma_start3A_692 = arith.constant 0 : i32
        %dma_start3A_693 = arith.constant 0 : i32
        %dma_start3A_694 = tpu.memref_slice %arg7[%dma_start3A, %dma_start3A_692, %dma_start3A_693] : memref<16x16x128xf32, #tpu.memory_space<vmem>> -> memref<1x16x128xf32, #tpu.memory_space<vmem>>
        %dma_start3A_695 = tpu.memref_squeeze %dma_start3A_694 : memref<1x16x128xf32, #tpu.memory_space<vmem>> -> memref<16x128xf32, #tpu.memory_space<vmem>>
        %dma_start3A_696 = arith.constant 0 : i32
        %dma_start3A_697 = tpu.memref_slice %arg3[%dma_start3A_696, %multiple_of3A_691] : memref<16x1000000xf32, #tpu.memory_space<hbm>> -> memref<16x128xf32, #tpu.memory_space<hbm>>
        %dma_start3A_698 = arith.constant 0 : i32
        %dma_start3A_699 = arith.constant 0 : i32
        %dma_start3A_700 = tpu.memref_slice %arg7[%dma_start3A, %dma_start3A_698, %dma_start3A_699] : memref<16x16x128xf32, #tpu.memory_space<vmem>> -> memref<1x16x128xf32, #tpu.memory_space<vmem>>
        %dma_start3A_701 = tpu.memref_squeeze %dma_start3A_700 : memref<1x16x128xf32, #tpu.memory_space<vmem>> -> memref<16x128xf32, #tpu.memory_space<vmem>>
        %dma_start3A_702 = arith.constant 0 : i32
        %dma_start3A_703 = tpu.memref_slice %arg3[%dma_start3A_702, %multiple_of3A_691] : memref<16x1000000xf32, #tpu.memory_space<hbm>> -> memref<16x128xf32, #tpu.memory_space<hbm>>
        tpu.enqueue_dma source(%dma_start3A_703 : memref<16x128xf32, #tpu.memory_space<hbm>>) target(%dma_start3A_701 : memref<16x128xf32, #tpu.memory_space<vmem>>) target_semaphore(%arg11 : memref<!tpu.dma_semaphore, #tpu.memory_space<semaphore_mem>>)
      } else {
      }
      %eq3A_42 = arith.constant 7812 : i32
      %eq3A_43 = arith.cmpi eq, %shift_right_arithmetic3A_36, %eq3A_42 : i32
      %convert_element_type3A_44 = arith.extui %eq3A_43 : i1 to i32
      %cond3A_45 = arith.constant 0 : i32
      %cond3A_46 = arith.cmpi ne, %convert_element_type3A_44, %cond3A_45 : i32
      scf.if %cond3A_46 {
        %dma_start3A = arith.constant 2 : i32
        %dma_start3A_689 = arith.constant 0 : i32
        %dma_start3A_690 = arith.constant 0 : i32
        %dma_start3A_691 = tpu.memref_slice %arg7[%dma_start3A, %dma_start3A_689, %dma_start3A_690] : memref<16x16x128xf32, #tpu.memory_space<vmem>> -> memref<1x16x128xf32, #tpu.memory_space<vmem>>
        %dma_start3A_692 = tpu.memref_squeeze %dma_start3A_691 : memref<1x16x128xf32, #tpu.memory_space<vmem>> -> memref<16x128xf32, #tpu.memory_space<vmem>>
        %dma_start3A_693 = arith.constant 0 : i32
        %dma_start3A_694 = arith.constant 0 : i32
        %dma_start3A_695 = tpu.memref_slice %arg7[%dma_start3A, %dma_start3A_693, %dma_start3A_694] : memref<16x16x128xf32, #tpu.memory_space<vmem>> -> memref<1x16x128xf32, #tpu.memory_space<vmem>>
        %dma_start3A_696 = tpu.memref_squeeze %dma_start3A_695 : memref<1x16x128xf32, #tpu.memory_space<vmem>> -> memref<16x128xf32, #tpu.memory_space<vmem>>
        tpu.enqueue_dma source(%arg4 : memref<16x128xf32, #tpu.memory_space<hbm>>) target(%dma_start3A_696 : memref<16x128xf32, #tpu.memory_space<vmem>>) target_semaphore(%arg11 : memref<!tpu.dma_semaphore, #tpu.memory_space<semaphore_mem>>)
      } else {
      }
      %slice3A_47 = vector.extract_strided_slice %get3A_11 {offsets = [3], sizes = [1], strides = [1]} : vector<16xi32> to vector<1xi32>
      %squeeze3A_48 = vector.extract %slice3A_47[0] : i32 from vector<1xi32>
      %shift_right_arithmetic3A_49 = arith.constant 7 : i32
      %shift_right_arithmetic3A_50 = arith.shrsi %squeeze3A_48, %shift_right_arithmetic3A_49 : i32
      %ne3A_51 = arith.constant 7812 : i32
      %ne3A_52 = arith.cmpi ne, %shift_right_arithmetic3A_50, %ne3A_51 : i32
      %convert_element_type3A_53 = arith.extui %ne3A_52 : i1 to i32
      %cond3A_54 = arith.constant 0 : i32
      %cond3A_55 = arith.cmpi ne, %convert_element_type3A_53, %cond3A_54 : i32
      scf.if %cond3A_55 {
        %mul3A_689 = arith.constant 128 : i32
        %mul3A_690 = arith.muli %shift_right_arithmetic3A_50, %mul3A_689 : i32
        %multiple_of3A_691 = tpu.assume_multiple %mul3A_690, 128 : i32
        %dma_start3A = arith.constant 3 : i32
        %dma_start3A_692 = arith.constant 0 : i32
        %dma_start3A_693 = arith.constant 0 : i32
        %dma_start3A_694 = tpu.memref_slice %arg7[%dma_start3A, %dma_start3A_692, %dma_start3A_693] : memref<16x16x128xf32, #tpu.memory_space<vmem>> -> memref<1x16x128xf32, #tpu.memory_space<vmem>>
        %dma_start3A_695 = tpu.memref_squeeze %dma_start3A_694 : memref<1x16x128xf32, #tpu.memory_space<vmem>> -> memref<16x128xf32, #tpu.memory_space<vmem>>
        %dma_start3A_696 = arith.constant 0 : i32
        %dma_start3A_697 = tpu.memref_slice %arg3[%dma_start3A_696, %multiple_of3A_691] : memref<16x1000000xf32, #tpu.memory_space<hbm>> -> memref<16x128xf32, #tpu.memory_space<hbm>>
        %dma_start3A_698 = arith.constant 0 : i32
        %dma_start3A_699 = arith.constant 0 : i32
        %dma_start3A_700 = tpu.memref_slice %arg7[%dma_start3A, %dma_start3A_698, %dma_start3A_699] : memref<16x16x128xf32, #tpu.memory_space<vmem>> -> memref<1x16x128xf32, #tpu.memory_space<vmem>>
        %dma_start3A_701 = tpu.memref_squeeze %dma_start3A_700 : memref<1x16x128xf32, #tpu.memory_space<vmem>> -> memref<16x128xf32, #tpu.memory_space<vmem>>
        %dma_start3A_702 = arith.constant 0 : i32
        %dma_start3A_703 = tpu.memref_slice %arg3[%dma_start3A_702, %multiple_of3A_691] : memref<16x1000000xf32, #tpu.memory_space<hbm>> -> memref<16x128xf32, #tpu.memory_space<hbm>>
        tpu.enqueue_dma source(%dma_start3A_703 : memref<16x128xf32, #tpu.memory_space<hbm>>) target(%dma_start3A_701 : memref<16x128xf32, #tpu.memory_space<vmem>>) target_semaphore(%arg12 : memref<!tpu.dma_semaphore, #tpu.memory_space<semaphore_mem>>)
      } else {
      }
      %eq3A_56 = arith.constant 7812 : i32
      %eq3A_57 = arith.cmpi eq, %shift_right_arithmetic3A_50, %eq3A_56 : i32
      %convert_element_type3A_58 = arith.extui %eq3A_57 : i1 to i32
      %cond3A_59 = arith.constant 0 : i32
      %cond3A_60 = arith.cmpi ne, %convert_element_type3A_58, %cond3A_59 : i32
      scf.if %cond3A_60 {
        %dma_start3A = arith.constant 3 : i32
        %dma_start3A_689 = arith.constant 0 : i32
        %dma_start3A_690 = arith.constant 0 : i32
        %dma_start3A_691 = tpu.memref_slice %arg7[%dma_start3A, %dma_start3A_689, %dma_start3A_690] : memref<16x16x128xf32, #tpu.memory_space<vmem>> -> memref<1x16x128xf32, #tpu.memory_space<vmem>>
        %dma_start3A_692 = tpu.memref_squeeze %dma_start3A_691 : memref<1x16x128xf32, #tpu.memory_space<vmem>> -> memref<16x128xf32, #tpu.memory_space<vmem>>
        %dma_start3A_693 = arith.constant 0 : i32
        %dma_start3A_694 = arith.constant 0 : i32
        %dma_start3A_695 = tpu.memref_slice %arg7[%dma_start3A, %dma_start3A_693, %dma_start3A_694] : memref<16x16x128xf32, #tpu.memory_space<vmem>> -> memref<1x16x128xf32, #tpu.memory_space<vmem>>
        %dma_start3A_696 = tpu.memref_squeeze %dma_start3A_695 : memref<1x16x128xf32, #tpu.memory_space<vmem>> -> memref<16x128xf32, #tpu.memory_space<vmem>>
        tpu.enqueue_dma source(%arg4 : memref<16x128xf32, #tpu.memory_space<hbm>>) target(%dma_start3A_696 : memref<16x128xf32, #tpu.memory_space<vmem>>) target_semaphore(%arg12 : memref<!tpu.dma_semaphore, #tpu.memory_space<semaphore_mem>>)
      } else {
      }
      %slice3A_61 = vector.extract_strided_slice %get3A_11 {offsets = [4], sizes = [1], strides = [1]} : vector<16xi32> to vector<1xi32>
      %squeeze3A_62 = vector.extract %slice3A_61[0] : i32 from vector<1xi32>
      %shift_right_arithmetic3A_63 = arith.constant 7 : i32
      %shift_right_arithmetic3A_64 = arith.shrsi %squeeze3A_62, %shift_right_arithmetic3A_63 : i32
      %ne3A_65 = arith.constant 7812 : i32
      %ne3A_66 = arith.cmpi ne, %shift_right_arithmetic3A_64, %ne3A_65 : i32
      %convert_element_type3A_67 = arith.extui %ne3A_66 : i1 to i32
      %cond3A_68 = arith.constant 0 : i32
      %cond3A_69 = arith.cmpi ne, %convert_element_type3A_67, %cond3A_68 : i32
      scf.if %cond3A_69 {
        %mul3A_689 = arith.constant 128 : i32
        %mul3A_690 = arith.muli %shift_right_arithmetic3A_64, %mul3A_689 : i32
        %multiple_of3A_691 = tpu.assume_multiple %mul3A_690, 128 : i32
        %dma_start3A = arith.constant 4 : i32
        %dma_start3A_692 = arith.constant 0 : i32
        %dma_start3A_693 = arith.constant 0 : i32
        %dma_start3A_694 = tpu.memref_slice %arg7[%dma_start3A, %dma_start3A_692, %dma_start3A_693] : memref<16x16x128xf32, #tpu.memory_space<vmem>> -> memref<1x16x128xf32, #tpu.memory_space<vmem>>
        %dma_start3A_695 = tpu.memref_squeeze %dma_start3A_694 : memref<1x16x128xf32, #tpu.memory_space<vmem>> -> memref<16x128xf32, #tpu.memory_space<vmem>>
        %dma_start3A_696 = arith.constant 0 : i32
        %dma_start3A_697 = tpu.memref_slice %arg3[%dma_start3A_696, %multiple_of3A_691] : memref<16x1000000xf32, #tpu.memory_space<hbm>> -> memref<16x128xf32, #tpu.memory_space<hbm>>
        %dma_start3A_698 = arith.constant 0 : i32
        %dma_start3A_699 = arith.constant 0 : i32
        %dma_start3A_700 = tpu.memref_slice %arg7[%dma_start3A, %dma_start3A_698, %dma_start3A_699] : memref<16x16x128xf32, #tpu.memory_space<vmem>> -> memref<1x16x128xf32, #tpu.memory_space<vmem>>
        %dma_start3A_701 = tpu.memref_squeeze %dma_start3A_700 : memref<1x16x128xf32, #tpu.memory_space<vmem>> -> memref<16x128xf32, #tpu.memory_space<vmem>>
        %dma_start3A_702 = arith.constant 0 : i32
        %dma_start3A_703 = tpu.memref_slice %arg3[%dma_start3A_702, %multiple_of3A_691] : memref<16x1000000xf32, #tpu.memory_space<hbm>> -> memref<16x128xf32, #tpu.memory_space<hbm>>
        tpu.enqueue_dma source(%dma_start3A_703 : memref<16x128xf32, #tpu.memory_space<hbm>>) target(%dma_start3A_701 : memref<16x128xf32, #tpu.memory_space<vmem>>) target_semaphore(%arg13 : memref<!tpu.dma_semaphore, #tpu.memory_space<semaphore_mem>>)
      } else {
      }
      %eq3A_70 = arith.constant 7812 : i32
      %eq3A_71 = arith.cmpi eq, %shift_right_arithmetic3A_64, %eq3A_70 : i32
      %convert_element_type3A_72 = arith.extui %eq3A_71 : i1 to i32
      %cond3A_73 = arith.constant 0 : i32
      %cond3A_74 = arith.cmpi ne, %convert_element_type3A_72, %cond3A_73 : i32
      scf.if %cond3A_74 {
        %dma_start3A = arith.constant 4 : i32
        %dma_start3A_689 = arith.constant 0 : i32
        %dma_start3A_690 = arith.constant 0 : i32
        %dma_start3A_691 = tpu.memref_slice %arg7[%dma_start3A, %dma_start3A_689, %dma_start3A_690] : memref<16x16x128xf32, #tpu.memory_space<vmem>> -> memref<1x16x128xf32, #tpu.memory_space<vmem>>
        %dma_start3A_692 = tpu.memref_squeeze %dma_start3A_691 : memref<1x16x128xf32, #tpu.memory_space<vmem>> -> memref<16x128xf32, #tpu.memory_space<vmem>>
        %dma_start3A_693 = arith.constant 0 : i32
        %dma_start3A_694 = arith.constant 0 : i32
        %dma_start3A_695 = tpu.memref_slice %arg7[%dma_start3A, %dma_start3A_693, %dma_start3A_694] : memref<16x16x128xf32, #tpu.memory_space<vmem>> -> memref<1x16x128xf32, #tpu.memory_space<vmem>>
        %dma_start3A_696 = tpu.memref_squeeze %dma_start3A_695 : memref<1x16x128xf32, #tpu.memory_space<vmem>> -> memref<16x128xf32, #tpu.memory_space<vmem>>
        tpu.enqueue_dma source(%arg4 : memref<16x128xf32, #tpu.memory_space<hbm>>) target(%dma_start3A_696 : memref<16x128xf32, #tpu.memory_space<vmem>>) target_semaphore(%arg13 : memref<!tpu.dma_semaphore, #tpu.memory_space<semaphore_mem>>)
      } else {
      }
      %slice3A_75 = vector.extract_strided_slice %get3A_11 {offsets = [5], sizes = [1], strides = [1]} : vector<16xi32> to vector<1xi32>
      %squeeze3A_76 = vector.extract %slice3A_75[0] : i32 from vector<1xi32>
      %shift_right_arithmetic3A_77 = arith.constant 7 : i32
      %shift_right_arithmetic3A_78 = arith.shrsi %squeeze3A_76, %shift_right_arithmetic3A_77 : i32
      %ne3A_79 = arith.constant 7812 : i32
      %ne3A_80 = arith.cmpi ne, %shift_right_arithmetic3A_78, %ne3A_79 : i32
      %convert_element_type3A_81 = arith.extui %ne3A_80 : i1 to i32
      %cond3A_82 = arith.constant 0 : i32
      %cond3A_83 = arith.cmpi ne, %convert_element_type3A_81, %cond3A_82 : i32
      scf.if %cond3A_83 {
        %mul3A_689 = arith.constant 128 : i32
        %mul3A_690 = arith.muli %shift_right_arithmetic3A_78, %mul3A_689 : i32
        %multiple_of3A_691 = tpu.assume_multiple %mul3A_690, 128 : i32
        %dma_start3A = arith.constant 5 : i32
        %dma_start3A_692 = arith.constant 0 : i32
        %dma_start3A_693 = arith.constant 0 : i32
        %dma_start3A_694 = tpu.memref_slice %arg7[%dma_start3A, %dma_start3A_692, %dma_start3A_693] : memref<16x16x128xf32, #tpu.memory_space<vmem>> -> memref<1x16x128xf32, #tpu.memory_space<vmem>>
        %dma_start3A_695 = tpu.memref_squeeze %dma_start3A_694 : memref<1x16x128xf32, #tpu.memory_space<vmem>> -> memref<16x128xf32, #tpu.memory_space<vmem>>
        %dma_start3A_696 = arith.constant 0 : i32
        %dma_start3A_697 = tpu.memref_slice %arg3[%dma_start3A_696, %multiple_of3A_691] : memref<16x1000000xf32, #tpu.memory_space<hbm>> -> memref<16x128xf32, #tpu.memory_space<hbm>>
        %dma_start3A_698 = arith.constant 0 : i32
        %dma_start3A_699 = arith.constant 0 : i32
        %dma_start3A_700 = tpu.memref_slice %arg7[%dma_start3A, %dma_start3A_698, %dma_start3A_699] : memref<16x16x128xf32, #tpu.memory_space<vmem>> -> memref<1x16x128xf32, #tpu.memory_space<vmem>>
        %dma_start3A_701 = tpu.memref_squeeze %dma_start3A_700 : memref<1x16x128xf32, #tpu.memory_space<vmem>> -> memref<16x128xf32, #tpu.memory_space<vmem>>
        %dma_start3A_702 = arith.constant 0 : i32
        %dma_start3A_703 = tpu.memref_slice %arg3[%dma_start3A_702, %multiple_of3A_691] : memref<16x1000000xf32, #tpu.memory_space<hbm>> -> memref<16x128xf32, #tpu.memory_space<hbm>>
        tpu.enqueue_dma source(%dma_start3A_703 : memref<16x128xf32, #tpu.memory_space<hbm>>) target(%dma_start3A_701 : memref<16x128xf32, #tpu.memory_space<vmem>>) target_semaphore(%arg14 : memref<!tpu.dma_semaphore, #tpu.memory_space<semaphore_mem>>)
      } else {
      }
      %eq3A_84 = arith.constant 7812 : i32
      %eq3A_85 = arith.cmpi eq, %shift_right_arithmetic3A_78, %eq3A_84 : i32
      %convert_element_type3A_86 = arith.extui %eq3A_85 : i1 to i32
      %cond3A_87 = arith.constant 0 : i32
      %cond3A_88 = arith.cmpi ne, %convert_element_type3A_86, %cond3A_87 : i32
      scf.if %cond3A_88 {
        %dma_start3A = arith.constant 5 : i32
        %dma_start3A_689 = arith.constant 0 : i32
        %dma_start3A_690 = arith.constant 0 : i32
        %dma_start3A_691 = tpu.memref_slice %arg7[%dma_start3A, %dma_start3A_689, %dma_start3A_690] : memref<16x16x128xf32, #tpu.memory_space<vmem>> -> memref<1x16x128xf32, #tpu.memory_space<vmem>>
        %dma_start3A_692 = tpu.memref_squeeze %dma_start3A_691 : memref<1x16x128xf32, #tpu.memory_space<vmem>> -> memref<16x128xf32, #tpu.memory_space<vmem>>
        %dma_start3A_693 = arith.constant 0 : i32
        %dma_start3A_694 = arith.constant 0 : i32
        %dma_start3A_695 = tpu.memref_slice %arg7[%dma_start3A, %dma_start3A_693, %dma_start3A_694] : memref<16x16x128xf32, #tpu.memory_space<vmem>> -> memref<1x16x128xf32, #tpu.memory_space<vmem>>
        %dma_start3A_696 = tpu.memref_squeeze %dma_start3A_695 : memref<1x16x128xf32, #tpu.memory_space<vmem>> -> memref<16x128xf32, #tpu.memory_space<vmem>>
        tpu.enqueue_dma source(%arg4 : memref<16x128xf32, #tpu.memory_space<hbm>>) target(%dma_start3A_696 : memref<16x128xf32, #tpu.memory_space<vmem>>) target_semaphore(%arg14 : memref<!tpu.dma_semaphore, #tpu.memory_space<semaphore_mem>>)
      } else {
      }
      %slice3A_89 = vector.extract_strided_slice %get3A_11 {offsets = [6], sizes = [1], strides = [1]} : vector<16xi32> to vector<1xi32>
      %squeeze3A_90 = vector.extract %slice3A_89[0] : i32 from vector<1xi32>
      %shift_right_arithmetic3A_91 = arith.constant 7 : i32
      %shift_right_arithmetic3A_92 = arith.shrsi %squeeze3A_90, %shift_right_arithmetic3A_91 : i32
      %ne3A_93 = arith.constant 7812 : i32
      %ne3A_94 = arith.cmpi ne, %shift_right_arithmetic3A_92, %ne3A_93 : i32
      %convert_element_type3A_95 = arith.extui %ne3A_94 : i1 to i32
      %cond3A_96 = arith.constant 0 : i32
      %cond3A_97 = arith.cmpi ne, %convert_element_type3A_95, %cond3A_96 : i32
      scf.if %cond3A_97 {
        %mul3A_689 = arith.constant 128 : i32
        %mul3A_690 = arith.muli %shift_right_arithmetic3A_92, %mul3A_689 : i32
        %multiple_of3A_691 = tpu.assume_multiple %mul3A_690, 128 : i32
        %dma_start3A = arith.constant 6 : i32
        %dma_start3A_692 = arith.constant 0 : i32
        %dma_start3A_693 = arith.constant 0 : i32
        %dma_start3A_694 = tpu.memref_slice %arg7[%dma_start3A, %dma_start3A_692, %dma_start3A_693] : memref<16x16x128xf32, #tpu.memory_space<vmem>> -> memref<1x16x128xf32, #tpu.memory_space<vmem>>
        %dma_start3A_695 = tpu.memref_squeeze %dma_start3A_694 : memref<1x16x128xf32, #tpu.memory_space<vmem>> -> memref<16x128xf32, #tpu.memory_space<vmem>>
        %dma_start3A_696 = arith.constant 0 : i32
        %dma_start3A_697 = tpu.memref_slice %arg3[%dma_start3A_696, %multiple_of3A_691] : memref<16x1000000xf32, #tpu.memory_space<hbm>> -> memref<16x128xf32, #tpu.memory_space<hbm>>
        %dma_start3A_698 = arith.constant 0 : i32
        %dma_start3A_699 = arith.constant 0 : i32
        %dma_start3A_700 = tpu.memref_slice %arg7[%dma_start3A, %dma_start3A_698, %dma_start3A_699] : memref<16x16x128xf32, #tpu.memory_space<vmem>> -> memref<1x16x128xf32, #tpu.memory_space<vmem>>
        %dma_start3A_701 = tpu.memref_squeeze %dma_start3A_700 : memref<1x16x128xf32, #tpu.memory_space<vmem>> -> memref<16x128xf32, #tpu.memory_space<vmem>>
        %dma_start3A_702 = arith.constant 0 : i32
        %dma_start3A_703 = tpu.memref_slice %arg3[%dma_start3A_702, %multiple_of3A_691] : memref<16x1000000xf32, #tpu.memory_space<hbm>> -> memref<16x128xf32, #tpu.memory_space<hbm>>
        tpu.enqueue_dma source(%dma_start3A_703 : memref<16x128xf32, #tpu.memory_space<hbm>>) target(%dma_start3A_701 : memref<16x128xf32, #tpu.memory_space<vmem>>) target_semaphore(%arg15 : memref<!tpu.dma_semaphore, #tpu.memory_space<semaphore_mem>>)
      } else {
      }
      %eq3A_98 = arith.constant 7812 : i32
      %eq3A_99 = arith.cmpi eq, %shift_right_arithmetic3A_92, %eq3A_98 : i32
      %convert_element_type3A_100 = arith.extui %eq3A_99 : i1 to i32
      %cond3A_101 = arith.constant 0 : i32
      %cond3A_102 = arith.cmpi ne, %convert_element_type3A_100, %cond3A_101 : i32
      scf.if %cond3A_102 {
        %dma_start3A = arith.constant 6 : i32
        %dma_start3A_689 = arith.constant 0 : i32
        %dma_start3A_690 = arith.constant 0 : i32
        %dma_start3A_691 = tpu.memref_slice %arg7[%dma_start3A, %dma_start3A_689, %dma_start3A_690] : memref<16x16x128xf32, #tpu.memory_space<vmem>> -> memref<1x16x128xf32, #tpu.memory_space<vmem>>
        %dma_start3A_692 = tpu.memref_squeeze %dma_start3A_691 : memref<1x16x128xf32, #tpu.memory_space<vmem>> -> memref<16x128xf32, #tpu.memory_space<vmem>>
        %dma_start3A_693 = arith.constant 0 : i32
        %dma_start3A_694 = arith.constant 0 : i32
        %dma_start3A_695 = tpu.memref_slice %arg7[%dma_start3A, %dma_start3A_693, %dma_start3A_694] : memref<16x16x128xf32, #tpu.memory_space<vmem>> -> memref<1x16x128xf32, #tpu.memory_space<vmem>>
        %dma_start3A_696 = tpu.memref_squeeze %dma_start3A_695 : memref<1x16x128xf32, #tpu.memory_space<vmem>> -> memref<16x128xf32, #tpu.memory_space<vmem>>
        tpu.enqueue_dma source(%arg4 : memref<16x128xf32, #tpu.memory_space<hbm>>) target(%dma_start3A_696 : memref<16x128xf32, #tpu.memory_space<vmem>>) target_semaphore(%arg15 : memref<!tpu.dma_semaphore, #tpu.memory_space<semaphore_mem>>)
      } else {
      }
      %slice3A_103 = vector.extract_strided_slice %get3A_11 {offsets = [7], sizes = [1], strides = [1]} : vector<16xi32> to vector<1xi32>
      %squeeze3A_104 = vector.extract %slice3A_103[0] : i32 from vector<1xi32>
      %shift_right_arithmetic3A_105 = arith.constant 7 : i32
      %shift_right_arithmetic3A_106 = arith.shrsi %squeeze3A_104, %shift_right_arithmetic3A_105 : i32
      %ne3A_107 = arith.constant 7812 : i32
      %ne3A_108 = arith.cmpi ne, %shift_right_arithmetic3A_106, %ne3A_107 : i32
      %convert_element_type3A_109 = arith.extui %ne3A_108 : i1 to i32
      %cond3A_110 = arith.constant 0 : i32
      %cond3A_111 = arith.cmpi ne, %convert_element_type3A_109, %cond3A_110 : i32
      scf.if %cond3A_111 {
        %mul3A_689 = arith.constant 128 : i32
        %mul3A_690 = arith.muli %shift_right_arithmetic3A_106, %mul3A_689 : i32
        %multiple_of3A_691 = tpu.assume_multiple %mul3A_690, 128 : i32
        %dma_start3A = arith.constant 7 : i32
        %dma_start3A_692 = arith.constant 0 : i32
        %dma_start3A_693 = arith.constant 0 : i32
        %dma_start3A_694 = tpu.memref_slice %arg7[%dma_start3A, %dma_start3A_692, %dma_start3A_693] : memref<16x16x128xf32, #tpu.memory_space<vmem>> -> memref<1x16x128xf32, #tpu.memory_space<vmem>>
        %dma_start3A_695 = tpu.memref_squeeze %dma_start3A_694 : memref<1x16x128xf32, #tpu.memory_space<vmem>> -> memref<16x128xf32, #tpu.memory_space<vmem>>
        %dma_start3A_696 = arith.constant 0 : i32
        %dma_start3A_697 = tpu.memref_slice %arg3[%dma_start3A_696, %multiple_of3A_691] : memref<16x1000000xf32, #tpu.memory_space<hbm>> -> memref<16x128xf32, #tpu.memory_space<hbm>>
        %dma_start3A_698 = arith.constant 0 : i32
        %dma_start3A_699 = arith.constant 0 : i32
        %dma_start3A_700 = tpu.memref_slice %arg7[%dma_start3A, %dma_start3A_698, %dma_start3A_699] : memref<16x16x128xf32, #tpu.memory_space<vmem>> -> memref<1x16x128xf32, #tpu.memory_space<vmem>>
        %dma_start3A_701 = tpu.memref_squeeze %dma_start3A_700 : memref<1x16x128xf32, #tpu.memory_space<vmem>> -> memref<16x128xf32, #tpu.memory_space<vmem>>
        %dma_start3A_702 = arith.constant 0 : i32
        %dma_start3A_703 = tpu.memref_slice %arg3[%dma_start3A_702, %multiple_of3A_691] : memref<16x1000000xf32, #tpu.memory_space<hbm>> -> memref<16x128xf32, #tpu.memory_space<hbm>>
        tpu.enqueue_dma source(%dma_start3A_703 : memref<16x128xf32, #tpu.memory_space<hbm>>) target(%dma_start3A_701 : memref<16x128xf32, #tpu.memory_space<vmem>>) target_semaphore(%arg16 : memref<!tpu.dma_semaphore, #tpu.memory_space<semaphore_mem>>)
      } else {
      }
      %eq3A_112 = arith.constant 7812 : i32
      %eq3A_113 = arith.cmpi eq, %shift_right_arithmetic3A_106, %eq3A_112 : i32
      %convert_element_type3A_114 = arith.extui %eq3A_113 : i1 to i32
      %cond3A_115 = arith.constant 0 : i32
      %cond3A_116 = arith.cmpi ne, %convert_element_type3A_114, %cond3A_115 : i32
      scf.if %cond3A_116 {
        %dma_start3A = arith.constant 7 : i32
        %dma_start3A_689 = arith.constant 0 : i32
        %dma_start3A_690 = arith.constant 0 : i32
        %dma_start3A_691 = tpu.memref_slice %arg7[%dma_start3A, %dma_start3A_689, %dma_start3A_690] : memref<16x16x128xf32, #tpu.memory_space<vmem>> -> memref<1x16x128xf32, #tpu.memory_space<vmem>>
        %dma_start3A_692 = tpu.memref_squeeze %dma_start3A_691 : memref<1x16x128xf32, #tpu.memory_space<vmem>> -> memref<16x128xf32, #tpu.memory_space<vmem>>
        %dma_start3A_693 = arith.constant 0 : i32
        %dma_start3A_694 = arith.constant 0 : i32
        %dma_start3A_695 = tpu.memref_slice %arg7[%dma_start3A, %dma_start3A_693, %dma_start3A_694] : memref<16x16x128xf32, #tpu.memory_space<vmem>> -> memref<1x16x128xf32, #tpu.memory_space<vmem>>
        %dma_start3A_696 = tpu.memref_squeeze %dma_start3A_695 : memref<1x16x128xf32, #tpu.memory_space<vmem>> -> memref<16x128xf32, #tpu.memory_space<vmem>>
        tpu.enqueue_dma source(%arg4 : memref<16x128xf32, #tpu.memory_space<hbm>>) target(%dma_start3A_696 : memref<16x128xf32, #tpu.memory_space<vmem>>) target_semaphore(%arg16 : memref<!tpu.dma_semaphore, #tpu.memory_space<semaphore_mem>>)
      } else {
      }
      %slice3A_117 = vector.extract_strided_slice %get3A_11 {offsets = [8], sizes = [1], strides = [1]} : vector<16xi32> to vector<1xi32>
      %squeeze3A_118 = vector.extract %slice3A_117[0] : i32 from vector<1xi32>
      %shift_right_arithmetic3A_119 = arith.constant 7 : i32
      %shift_right_arithmetic3A_120 = arith.shrsi %squeeze3A_118, %shift_right_arithmetic3A_119 : i32
      %ne3A_121 = arith.constant 7812 : i32
      %ne3A_122 = arith.cmpi ne, %shift_right_arithmetic3A_120, %ne3A_121 : i32
      %convert_element_type3A_123 = arith.extui %ne3A_122 : i1 to i32
      %cond3A_124 = arith.constant 0 : i32
      %cond3A_125 = arith.cmpi ne, %convert_element_type3A_123, %cond3A_124 : i32
      scf.if %cond3A_125 {
        %mul3A_689 = arith.constant 128 : i32
        %mul3A_690 = arith.muli %shift_right_arithmetic3A_120, %mul3A_689 : i32
        %multiple_of3A_691 = tpu.assume_multiple %mul3A_690, 128 : i32
        %dma_start3A = arith.constant 8 : i32
        %dma_start3A_692 = arith.constant 0 : i32
        %dma_start3A_693 = arith.constant 0 : i32
        %dma_start3A_694 = tpu.memref_slice %arg7[%dma_start3A, %dma_start3A_692, %dma_start3A_693] : memref<16x16x128xf32, #tpu.memory_space<vmem>> -> memref<1x16x128xf32, #tpu.memory_space<vmem>>
        %dma_start3A_695 = tpu.memref_squeeze %dma_start3A_694 : memref<1x16x128xf32, #tpu.memory_space<vmem>> -> memref<16x128xf32, #tpu.memory_space<vmem>>
        %dma_start3A_696 = arith.constant 0 : i32
        %dma_start3A_697 = tpu.memref_slice %arg3[%dma_start3A_696, %multiple_of3A_691] : memref<16x1000000xf32, #tpu.memory_space<hbm>> -> memref<16x128xf32, #tpu.memory_space<hbm>>
        %dma_start3A_698 = arith.constant 0 : i32
        %dma_start3A_699 = arith.constant 0 : i32
        %dma_start3A_700 = tpu.memref_slice %arg7[%dma_start3A, %dma_start3A_698, %dma_start3A_699] : memref<16x16x128xf32, #tpu.memory_space<vmem>> -> memref<1x16x128xf32, #tpu.memory_space<vmem>>
        %dma_start3A_701 = tpu.memref_squeeze %dma_start3A_700 : memref<1x16x128xf32, #tpu.memory_space<vmem>> -> memref<16x128xf32, #tpu.memory_space<vmem>>
        %dma_start3A_702 = arith.constant 0 : i32
        %dma_start3A_703 = tpu.memref_slice %arg3[%dma_start3A_702, %multiple_of3A_691] : memref<16x1000000xf32, #tpu.memory_space<hbm>> -> memref<16x128xf32, #tpu.memory_space<hbm>>
        tpu.enqueue_dma source(%dma_start3A_703 : memref<16x128xf32, #tpu.memory_space<hbm>>) target(%dma_start3A_701 : memref<16x128xf32, #tpu.memory_space<vmem>>) target_semaphore(%arg17 : memref<!tpu.dma_semaphore, #tpu.memory_space<semaphore_mem>>)
      } else {
      }
      %eq3A_126 = arith.constant 7812 : i32
      %eq3A_127 = arith.cmpi eq, %shift_right_arithmetic3A_120, %eq3A_126 : i32
      %convert_element_type3A_128 = arith.extui %eq3A_127 : i1 to i32
      %cond3A_129 = arith.constant 0 : i32
      %cond3A_130 = arith.cmpi ne, %convert_element_type3A_128, %cond3A_129 : i32
      scf.if %cond3A_130 {
        %dma_start3A = arith.constant 8 : i32
        %dma_start3A_689 = arith.constant 0 : i32
        %dma_start3A_690 = arith.constant 0 : i32
        %dma_start3A_691 = tpu.memref_slice %arg7[%dma_start3A, %dma_start3A_689, %dma_start3A_690] : memref<16x16x128xf32, #tpu.memory_space<vmem>> -> memref<1x16x128xf32, #tpu.memory_space<vmem>>
        %dma_start3A_692 = tpu.memref_squeeze %dma_start3A_691 : memref<1x16x128xf32, #tpu.memory_space<vmem>> -> memref<16x128xf32, #tpu.memory_space<vmem>>
        %dma_start3A_693 = arith.constant 0 : i32
        %dma_start3A_694 = arith.constant 0 : i32
        %dma_start3A_695 = tpu.memref_slice %arg7[%dma_start3A, %dma_start3A_693, %dma_start3A_694] : memref<16x16x128xf32, #tpu.memory_space<vmem>> -> memref<1x16x128xf32, #tpu.memory_space<vmem>>
        %dma_start3A_696 = tpu.memref_squeeze %dma_start3A_695 : memref<1x16x128xf32, #tpu.memory_space<vmem>> -> memref<16x128xf32, #tpu.memory_space<vmem>>
        tpu.enqueue_dma source(%arg4 : memref<16x128xf32, #tpu.memory_space<hbm>>) target(%dma_start3A_696 : memref<16x128xf32, #tpu.memory_space<vmem>>) target_semaphore(%arg17 : memref<!tpu.dma_semaphore, #tpu.memory_space<semaphore_mem>>)
      } else {
      }
      %slice3A_131 = vector.extract_strided_slice %get3A_11 {offsets = [9], sizes = [1], strides = [1]} : vector<16xi32> to vector<1xi32>
      %squeeze3A_132 = vector.extract %slice3A_131[0] : i32 from vector<1xi32>
      %shift_right_arithmetic3A_133 = arith.constant 7 : i32
      %shift_right_arithmetic3A_134 = arith.shrsi %squeeze3A_132, %shift_right_arithmetic3A_133 : i32
      %ne3A_135 = arith.constant 7812 : i32
      %ne3A_136 = arith.cmpi ne, %shift_right_arithmetic3A_134, %ne3A_135 : i32
      %convert_element_type3A_137 = arith.extui %ne3A_136 : i1 to i32
      %cond3A_138 = arith.constant 0 : i32
      %cond3A_139 = arith.cmpi ne, %convert_element_type3A_137, %cond3A_138 : i32
      scf.if %cond3A_139 {
        %mul3A_689 = arith.constant 128 : i32
        %mul3A_690 = arith.muli %shift_right_arithmetic3A_134, %mul3A_689 : i32
        %multiple_of3A_691 = tpu.assume_multiple %mul3A_690, 128 : i32
        %dma_start3A = arith.constant 9 : i32
        %dma_start3A_692 = arith.constant 0 : i32
        %dma_start3A_693 = arith.constant 0 : i32
        %dma_start3A_694 = tpu.memref_slice %arg7[%dma_start3A, %dma_start3A_692, %dma_start3A_693] : memref<16x16x128xf32, #tpu.memory_space<vmem>> -> memref<1x16x128xf32, #tpu.memory_space<vmem>>
        %dma_start3A_695 = tpu.memref_squeeze %dma_start3A_694 : memref<1x16x128xf32, #tpu.memory_space<vmem>> -> memref<16x128xf32, #tpu.memory_space<vmem>>
        %dma_start3A_696 = arith.constant 0 : i32
        %dma_start3A_697 = tpu.memref_slice %arg3[%dma_start3A_696, %multiple_of3A_691] : memref<16x1000000xf32, #tpu.memory_space<hbm>> -> memref<16x128xf32, #tpu.memory_space<hbm>>
        %dma_start3A_698 = arith.constant 0 : i32
        %dma_start3A_699 = arith.constant 0 : i32
        %dma_start3A_700 = tpu.memref_slice %arg7[%dma_start3A, %dma_start3A_698, %dma_start3A_699] : memref<16x16x128xf32, #tpu.memory_space<vmem>> -> memref<1x16x128xf32, #tpu.memory_space<vmem>>
        %dma_start3A_701 = tpu.memref_squeeze %dma_start3A_700 : memref<1x16x128xf32, #tpu.memory_space<vmem>> -> memref<16x128xf32, #tpu.memory_space<vmem>>
        %dma_start3A_702 = arith.constant 0 : i32
        %dma_start3A_703 = tpu.memref_slice %arg3[%dma_start3A_702, %multiple_of3A_691] : memref<16x1000000xf32, #tpu.memory_space<hbm>> -> memref<16x128xf32, #tpu.memory_space<hbm>>
        tpu.enqueue_dma source(%dma_start3A_703 : memref<16x128xf32, #tpu.memory_space<hbm>>) target(%dma_start3A_701 : memref<16x128xf32, #tpu.memory_space<vmem>>) target_semaphore(%arg18 : memref<!tpu.dma_semaphore, #tpu.memory_space<semaphore_mem>>)
      } else {
      }
      %eq3A_140 = arith.constant 7812 : i32
      %eq3A_141 = arith.cmpi eq, %shift_right_arithmetic3A_134, %eq3A_140 : i32
      %convert_element_type3A_142 = arith.extui %eq3A_141 : i1 to i32
      %cond3A_143 = arith.constant 0 : i32
      %cond3A_144 = arith.cmpi ne, %convert_element_type3A_142, %cond3A_143 : i32
      scf.if %cond3A_144 {
        %dma_start3A = arith.constant 9 : i32
        %dma_start3A_689 = arith.constant 0 : i32
        %dma_start3A_690 = arith.constant 0 : i32
        %dma_start3A_691 = tpu.memref_slice %arg7[%dma_start3A, %dma_start3A_689, %dma_start3A_690] : memref<16x16x128xf32, #tpu.memory_space<vmem>> -> memref<1x16x128xf32, #tpu.memory_space<vmem>>
        %dma_start3A_692 = tpu.memref_squeeze %dma_start3A_691 : memref<1x16x128xf32, #tpu.memory_space<vmem>> -> memref<16x128xf32, #tpu.memory_space<vmem>>
        %dma_start3A_693 = arith.constant 0 : i32
        %dma_start3A_694 = arith.constant 0 : i32
        %dma_start3A_695 = tpu.memref_slice %arg7[%dma_start3A, %dma_start3A_693, %dma_start3A_694] : memref<16x16x128xf32, #tpu.memory_space<vmem>> -> memref<1x16x128xf32, #tpu.memory_space<vmem>>
        %dma_start3A_696 = tpu.memref_squeeze %dma_start3A_695 : memref<1x16x128xf32, #tpu.memory_space<vmem>> -> memref<16x128xf32, #tpu.memory_space<vmem>>
        tpu.enqueue_dma source(%arg4 : memref<16x128xf32, #tpu.memory_space<hbm>>) target(%dma_start3A_696 : memref<16x128xf32, #tpu.memory_space<vmem>>) target_semaphore(%arg18 : memref<!tpu.dma_semaphore, #tpu.memory_space<semaphore_mem>>)
      } else {
      }
      %slice3A_145 = vector.extract_strided_slice %get3A_11 {offsets = [10], sizes = [1], strides = [1]} : vector<16xi32> to vector<1xi32>
      %squeeze3A_146 = vector.extract %slice3A_145[0] : i32 from vector<1xi32>
      %shift_right_arithmetic3A_147 = arith.constant 7 : i32
      %shift_right_arithmetic3A_148 = arith.shrsi %squeeze3A_146, %shift_right_arithmetic3A_147 : i32
      %ne3A_149 = arith.constant 7812 : i32
      %ne3A_150 = arith.cmpi ne, %shift_right_arithmetic3A_148, %ne3A_149 : i32
      %convert_element_type3A_151 = arith.extui %ne3A_150 : i1 to i32
      %cond3A_152 = arith.constant 0 : i32
      %cond3A_153 = arith.cmpi ne, %convert_element_type3A_151, %cond3A_152 : i32
      scf.if %cond3A_153 {
        %mul3A_689 = arith.constant 128 : i32
        %mul3A_690 = arith.muli %shift_right_arithmetic3A_148, %mul3A_689 : i32
        %multiple_of3A_691 = tpu.assume_multiple %mul3A_690, 128 : i32
        %dma_start3A = arith.constant 10 : i32
        %dma_start3A_692 = arith.constant 0 : i32
        %dma_start3A_693 = arith.constant 0 : i32
        %dma_start3A_694 = tpu.memref_slice %arg7[%dma_start3A, %dma_start3A_692, %dma_start3A_693] : memref<16x16x128xf32, #tpu.memory_space<vmem>> -> memref<1x16x128xf32, #tpu.memory_space<vmem>>
        %dma_start3A_695 = tpu.memref_squeeze %dma_start3A_694 : memref<1x16x128xf32, #tpu.memory_space<vmem>> -> memref<16x128xf32, #tpu.memory_space<vmem>>
        %dma_start3A_696 = arith.constant 0 : i32
        %dma_start3A_697 = tpu.memref_slice %arg3[%dma_start3A_696, %multiple_of3A_691] : memref<16x1000000xf32, #tpu.memory_space<hbm>> -> memref<16x128xf32, #tpu.memory_space<hbm>>
        %dma_start3A_698 = arith.constant 0 : i32
        %dma_start3A_699 = arith.constant 0 : i32
        %dma_start3A_700 = tpu.memref_slice %arg7[%dma_start3A, %dma_start3A_698, %dma_start3A_699] : memref<16x16x128xf32, #tpu.memory_space<vmem>> -> memref<1x16x128xf32, #tpu.memory_space<vmem>>
        %dma_start3A_701 = tpu.memref_squeeze %dma_start3A_700 : memref<1x16x128xf32, #tpu.memory_space<vmem>> -> memref<16x128xf32, #tpu.memory_space<vmem>>
        %dma_start3A_702 = arith.constant 0 : i32
        %dma_start3A_703 = tpu.memref_slice %arg3[%dma_start3A_702, %multiple_of3A_691] : memref<16x1000000xf32, #tpu.memory_space<hbm>> -> memref<16x128xf32, #tpu.memory_space<hbm>>
        tpu.enqueue_dma source(%dma_start3A_703 : memref<16x128xf32, #tpu.memory_space<hbm>>) target(%dma_start3A_701 : memref<16x128xf32, #tpu.memory_space<vmem>>) target_semaphore(%arg19 : memref<!tpu.dma_semaphore, #tpu.memory_space<semaphore_mem>>)
      } else {
      }
      %eq3A_154 = arith.constant 7812 : i32
      %eq3A_155 = arith.cmpi eq, %shift_right_arithmetic3A_148, %eq3A_154 : i32
      %convert_element_type3A_156 = arith.extui %eq3A_155 : i1 to i32
      %cond3A_157 = arith.constant 0 : i32
      %cond3A_158 = arith.cmpi ne, %convert_element_type3A_156, %cond3A_157 : i32
      scf.if %cond3A_158 {
        %dma_start3A = arith.constant 10 : i32
        %dma_start3A_689 = arith.constant 0 : i32
        %dma_start3A_690 = arith.constant 0 : i32
        %dma_start3A_691 = tpu.memref_slice %arg7[%dma_start3A, %dma_start3A_689, %dma_start3A_690] : memref<16x16x128xf32, #tpu.memory_space<vmem>> -> memref<1x16x128xf32, #tpu.memory_space<vmem>>
        %dma_start3A_692 = tpu.memref_squeeze %dma_start3A_691 : memref<1x16x128xf32, #tpu.memory_space<vmem>> -> memref<16x128xf32, #tpu.memory_space<vmem>>
        %dma_start3A_693 = arith.constant 0 : i32
        %dma_start3A_694 = arith.constant 0 : i32
        %dma_start3A_695 = tpu.memref_slice %arg7[%dma_start3A, %dma_start3A_693, %dma_start3A_694] : memref<16x16x128xf32, #tpu.memory_space<vmem>> -> memref<1x16x128xf32, #tpu.memory_space<vmem>>
        %dma_start3A_696 = tpu.memref_squeeze %dma_start3A_695 : memref<1x16x128xf32, #tpu.memory_space<vmem>> -> memref<16x128xf32, #tpu.memory_space<vmem>>
        tpu.enqueue_dma source(%arg4 : memref<16x128xf32, #tpu.memory_space<hbm>>) target(%dma_start3A_696 : memref<16x128xf32, #tpu.memory_space<vmem>>) target_semaphore(%arg19 : memref<!tpu.dma_semaphore, #tpu.memory_space<semaphore_mem>>)
      } else {
      }
      %slice3A_159 = vector.extract_strided_slice %get3A_11 {offsets = [11], sizes = [1], strides = [1]} : vector<16xi32> to vector<1xi32>
      %squeeze3A_160 = vector.extract %slice3A_159[0] : i32 from vector<1xi32>
      %shift_right_arithmetic3A_161 = arith.constant 7 : i32
      %shift_right_arithmetic3A_162 = arith.shrsi %squeeze3A_160, %shift_right_arithmetic3A_161 : i32
      %ne3A_163 = arith.constant 7812 : i32
      %ne3A_164 = arith.cmpi ne, %shift_right_arithmetic3A_162, %ne3A_163 : i32
      %convert_element_type3A_165 = arith.extui %ne3A_164 : i1 to i32
      %cond3A_166 = arith.constant 0 : i32
      %cond3A_167 = arith.cmpi ne, %convert_element_type3A_165, %cond3A_166 : i32
      scf.if %cond3A_167 {
        %mul3A_689 = arith.constant 128 : i32
        %mul3A_690 = arith.muli %shift_right_arithmetic3A_162, %mul3A_689 : i32
        %multiple_of3A_691 = tpu.assume_multiple %mul3A_690, 128 : i32
        %dma_start3A = arith.constant 11 : i32
        %dma_start3A_692 = arith.constant 0 : i32
        %dma_start3A_693 = arith.constant 0 : i32
        %dma_start3A_694 = tpu.memref_slice %arg7[%dma_start3A, %dma_start3A_692, %dma_start3A_693] : memref<16x16x128xf32, #tpu.memory_space<vmem>> -> memref<1x16x128xf32, #tpu.memory_space<vmem>>
        %dma_start3A_695 = tpu.memref_squeeze %dma_start3A_694 : memref<1x16x128xf32, #tpu.memory_space<vmem>> -> memref<16x128xf32, #tpu.memory_space<vmem>>
        %dma_start3A_696 = arith.constant 0 : i32
        %dma_start3A_697 = tpu.memref_slice %arg3[%dma_start3A_696, %multiple_of3A_691] : memref<16x1000000xf32, #tpu.memory_space<hbm>> -> memref<16x128xf32, #tpu.memory_space<hbm>>
        %dma_start3A_698 = arith.constant 0 : i32
        %dma_start3A_699 = arith.constant 0 : i32
        %dma_start3A_700 = tpu.memref_slice %arg7[%dma_start3A, %dma_start3A_698, %dma_start3A_699] : memref<16x16x128xf32, #tpu.memory_space<vmem>> -> memref<1x16x128xf32, #tpu.memory_space<vmem>>
        %dma_start3A_701 = tpu.memref_squeeze %dma_start3A_700 : memref<1x16x128xf32, #tpu.memory_space<vmem>> -> memref<16x128xf32, #tpu.memory_space<vmem>>
        %dma_start3A_702 = arith.constant 0 : i32
        %dma_start3A_703 = tpu.memref_slice %arg3[%dma_start3A_702, %multiple_of3A_691] : memref<16x1000000xf32, #tpu.memory_space<hbm>> -> memref<16x128xf32, #tpu.memory_space<hbm>>
        tpu.enqueue_dma source(%dma_start3A_703 : memref<16x128xf32, #tpu.memory_space<hbm>>) target(%dma_start3A_701 : memref<16x128xf32, #tpu.memory_space<vmem>>) target_semaphore(%arg20 : memref<!tpu.dma_semaphore, #tpu.memory_space<semaphore_mem>>)
      } else {
      }
      %eq3A_168 = arith.constant 7812 : i32
      %eq3A_169 = arith.cmpi eq, %shift_right_arithmetic3A_162, %eq3A_168 : i32
      %convert_element_type3A_170 = arith.extui %eq3A_169 : i1 to i32
      %cond3A_171 = arith.constant 0 : i32
      %cond3A_172 = arith.cmpi ne, %convert_element_type3A_170, %cond3A_171 : i32
      scf.if %cond3A_172 {
        %dma_start3A = arith.constant 11 : i32
        %dma_start3A_689 = arith.constant 0 : i32
        %dma_start3A_690 = arith.constant 0 : i32
        %dma_start3A_691 = tpu.memref_slice %arg7[%dma_start3A, %dma_start3A_689, %dma_start3A_690] : memref<16x16x128xf32, #tpu.memory_space<vmem>> -> memref<1x16x128xf32, #tpu.memory_space<vmem>>
        %dma_start3A_692 = tpu.memref_squeeze %dma_start3A_691 : memref<1x16x128xf32, #tpu.memory_space<vmem>> -> memref<16x128xf32, #tpu.memory_space<vmem>>
        %dma_start3A_693 = arith.constant 0 : i32
        %dma_start3A_694 = arith.constant 0 : i32
        %dma_start3A_695 = tpu.memref_slice %arg7[%dma_start3A, %dma_start3A_693, %dma_start3A_694] : memref<16x16x128xf32, #tpu.memory_space<vmem>> -> memref<1x16x128xf32, #tpu.memory_space<vmem>>
        %dma_start3A_696 = tpu.memref_squeeze %dma_start3A_695 : memref<1x16x128xf32, #tpu.memory_space<vmem>> -> memref<16x128xf32, #tpu.memory_space<vmem>>
        tpu.enqueue_dma source(%arg4 : memref<16x128xf32, #tpu.memory_space<hbm>>) target(%dma_start3A_696 : memref<16x128xf32, #tpu.memory_space<vmem>>) target_semaphore(%arg20 : memref<!tpu.dma_semaphore, #tpu.memory_space<semaphore_mem>>)
      } else {
      }
      %slice3A_173 = vector.extract_strided_slice %get3A_11 {offsets = [12], sizes = [1], strides = [1]} : vector<16xi32> to vector<1xi32>
      %squeeze3A_174 = vector.extract %slice3A_173[0] : i32 from vector<1xi32>
      %shift_right_arithmetic3A_175 = arith.constant 7 : i32
      %shift_right_arithmetic3A_176 = arith.shrsi %squeeze3A_174, %shift_right_arithmetic3A_175 : i32
      %ne3A_177 = arith.constant 7812 : i32
      %ne3A_178 = arith.cmpi ne, %shift_right_arithmetic3A_176, %ne3A_177 : i32
      %convert_element_type3A_179 = arith.extui %ne3A_178 : i1 to i32
      %cond3A_180 = arith.constant 0 : i32
      %cond3A_181 = arith.cmpi ne, %convert_element_type3A_179, %cond3A_180 : i32
      scf.if %cond3A_181 {
        %mul3A_689 = arith.constant 128 : i32
        %mul3A_690 = arith.muli %shift_right_arithmetic3A_176, %mul3A_689 : i32
        %multiple_of3A_691 = tpu.assume_multiple %mul3A_690, 128 : i32
        %dma_start3A = arith.constant 12 : i32
        %dma_start3A_692 = arith.constant 0 : i32
        %dma_start3A_693 = arith.constant 0 : i32
        %dma_start3A_694 = tpu.memref_slice %arg7[%dma_start3A, %dma_start3A_692, %dma_start3A_693] : memref<16x16x128xf32, #tpu.memory_space<vmem>> -> memref<1x16x128xf32, #tpu.memory_space<vmem>>
        %dma_start3A_695 = tpu.memref_squeeze %dma_start3A_694 : memref<1x16x128xf32, #tpu.memory_space<vmem>> -> memref<16x128xf32, #tpu.memory_space<vmem>>
        %dma_start3A_696 = arith.constant 0 : i32
        %dma_start3A_697 = tpu.memref_slice %arg3[%dma_start3A_696, %multiple_of3A_691] : memref<16x1000000xf32, #tpu.memory_space<hbm>> -> memref<16x128xf32, #tpu.memory_space<hbm>>
        %dma_start3A_698 = arith.constant 0 : i32
        %dma_start3A_699 = arith.constant 0 : i32
        %dma_start3A_700 = tpu.memref_slice %arg7[%dma_start3A, %dma_start3A_698, %dma_start3A_699] : memref<16x16x128xf32, #tpu.memory_space<vmem>> -> memref<1x16x128xf32, #tpu.memory_space<vmem>>
        %dma_start3A_701 = tpu.memref_squeeze %dma_start3A_700 : memref<1x16x128xf32, #tpu.memory_space<vmem>> -> memref<16x128xf32, #tpu.memory_space<vmem>>
        %dma_start3A_702 = arith.constant 0 : i32
        %dma_start3A_703 = tpu.memref_slice %arg3[%dma_start3A_702, %multiple_of3A_691] : memref<16x1000000xf32, #tpu.memory_space<hbm>> -> memref<16x128xf32, #tpu.memory_space<hbm>>
        tpu.enqueue_dma source(%dma_start3A_703 : memref<16x128xf32, #tpu.memory_space<hbm>>) target(%dma_start3A_701 : memref<16x128xf32, #tpu.memory_space<vmem>>) target_semaphore(%arg21 : memref<!tpu.dma_semaphore, #tpu.memory_space<semaphore_mem>>)
      } else {
      }
      %eq3A_182 = arith.constant 7812 : i32
      %eq3A_183 = arith.cmpi eq, %shift_right_arithmetic3A_176, %eq3A_182 : i32
      %convert_element_type3A_184 = arith.extui %eq3A_183 : i1 to i32
      %cond3A_185 = arith.constant 0 : i32
      %cond3A_186 = arith.cmpi ne, %convert_element_type3A_184, %cond3A_185 : i32
      scf.if %cond3A_186 {
        %dma_start3A = arith.constant 12 : i32
        %dma_start3A_689 = arith.constant 0 : i32
        %dma_start3A_690 = arith.constant 0 : i32
        %dma_start3A_691 = tpu.memref_slice %arg7[%dma_start3A, %dma_start3A_689, %dma_start3A_690] : memref<16x16x128xf32, #tpu.memory_space<vmem>> -> memref<1x16x128xf32, #tpu.memory_space<vmem>>
        %dma_start3A_692 = tpu.memref_squeeze %dma_start3A_691 : memref<1x16x128xf32, #tpu.memory_space<vmem>> -> memref<16x128xf32, #tpu.memory_space<vmem>>
        %dma_start3A_693 = arith.constant 0 : i32
        %dma_start3A_694 = arith.constant 0 : i32
        %dma_start3A_695 = tpu.memref_slice %arg7[%dma_start3A, %dma_start3A_693, %dma_start3A_694] : memref<16x16x128xf32, #tpu.memory_space<vmem>> -> memref<1x16x128xf32, #tpu.memory_space<vmem>>
        %dma_start3A_696 = tpu.memref_squeeze %dma_start3A_695 : memref<1x16x128xf32, #tpu.memory_space<vmem>> -> memref<16x128xf32, #tpu.memory_space<vmem>>
        tpu.enqueue_dma source(%arg4 : memref<16x128xf32, #tpu.memory_space<hbm>>) target(%dma_start3A_696 : memref<16x128xf32, #tpu.memory_space<vmem>>) target_semaphore(%arg21 : memref<!tpu.dma_semaphore, #tpu.memory_space<semaphore_mem>>)
      } else {
      }
      %slice3A_187 = vector.extract_strided_slice %get3A_11 {offsets = [13], sizes = [1], strides = [1]} : vector<16xi32> to vector<1xi32>
      %squeeze3A_188 = vector.extract %slice3A_187[0] : i32 from vector<1xi32>
      %shift_right_arithmetic3A_189 = arith.constant 7 : i32
      %shift_right_arithmetic3A_190 = arith.shrsi %squeeze3A_188, %shift_right_arithmetic3A_189 : i32
      %ne3A_191 = arith.constant 7812 : i32
      %ne3A_192 = arith.cmpi ne, %shift_right_arithmetic3A_190, %ne3A_191 : i32
      %convert_element_type3A_193 = arith.extui %ne3A_192 : i1 to i32
      %cond3A_194 = arith.constant 0 : i32
      %cond3A_195 = arith.cmpi ne, %convert_element_type3A_193, %cond3A_194 : i32
      scf.if %cond3A_195 {
        %mul3A_689 = arith.constant 128 : i32
        %mul3A_690 = arith.muli %shift_right_arithmetic3A_190, %mul3A_689 : i32
        %multiple_of3A_691 = tpu.assume_multiple %mul3A_690, 128 : i32
        %dma_start3A = arith.constant 13 : i32
        %dma_start3A_692 = arith.constant 0 : i32
        %dma_start3A_693 = arith.constant 0 : i32
        %dma_start3A_694 = tpu.memref_slice %arg7[%dma_start3A, %dma_start3A_692, %dma_start3A_693] : memref<16x16x128xf32, #tpu.memory_space<vmem>> -> memref<1x16x128xf32, #tpu.memory_space<vmem>>
        %dma_start3A_695 = tpu.memref_squeeze %dma_start3A_694 : memref<1x16x128xf32, #tpu.memory_space<vmem>> -> memref<16x128xf32, #tpu.memory_space<vmem>>
        %dma_start3A_696 = arith.constant 0 : i32
        %dma_start3A_697 = tpu.memref_slice %arg3[%dma_start3A_696, %multiple_of3A_691] : memref<16x1000000xf32, #tpu.memory_space<hbm>> -> memref<16x128xf32, #tpu.memory_space<hbm>>
        %dma_start3A_698 = arith.constant 0 : i32
        %dma_start3A_699 = arith.constant 0 : i32
        %dma_start3A_700 = tpu.memref_slice %arg7[%dma_start3A, %dma_start3A_698, %dma_start3A_699] : memref<16x16x128xf32, #tpu.memory_space<vmem>> -> memref<1x16x128xf32, #tpu.memory_space<vmem>>
        %dma_start3A_701 = tpu.memref_squeeze %dma_start3A_700 : memref<1x16x128xf32, #tpu.memory_space<vmem>> -> memref<16x128xf32, #tpu.memory_space<vmem>>
        %dma_start3A_702 = arith.constant 0 : i32
        %dma_start3A_703 = tpu.memref_slice %arg3[%dma_start3A_702, %multiple_of3A_691] : memref<16x1000000xf32, #tpu.memory_space<hbm>> -> memref<16x128xf32, #tpu.memory_space<hbm>>
        tpu.enqueue_dma source(%dma_start3A_703 : memref<16x128xf32, #tpu.memory_space<hbm>>) target(%dma_start3A_701 : memref<16x128xf32, #tpu.memory_space<vmem>>) target_semaphore(%arg22 : memref<!tpu.dma_semaphore, #tpu.memory_space<semaphore_mem>>)
      } else {
      }
      %eq3A_196 = arith.constant 7812 : i32
      %eq3A_197 = arith.cmpi eq, %shift_right_arithmetic3A_190, %eq3A_196 : i32
      %convert_element_type3A_198 = arith.extui %eq3A_197 : i1 to i32
      %cond3A_199 = arith.constant 0 : i32
      %cond3A_200 = arith.cmpi ne, %convert_element_type3A_198, %cond3A_199 : i32
      scf.if %cond3A_200 {
        %dma_start3A = arith.constant 13 : i32
        %dma_start3A_689 = arith.constant 0 : i32
        %dma_start3A_690 = arith.constant 0 : i32
        %dma_start3A_691 = tpu.memref_slice %arg7[%dma_start3A, %dma_start3A_689, %dma_start3A_690] : memref<16x16x128xf32, #tpu.memory_space<vmem>> -> memref<1x16x128xf32, #tpu.memory_space<vmem>>
        %dma_start3A_692 = tpu.memref_squeeze %dma_start3A_691 : memref<1x16x128xf32, #tpu.memory_space<vmem>> -> memref<16x128xf32, #tpu.memory_space<vmem>>
        %dma_start3A_693 = arith.constant 0 : i32
        %dma_start3A_694 = arith.constant 0 : i32
        %dma_start3A_695 = tpu.memref_slice %arg7[%dma_start3A, %dma_start3A_693, %dma_start3A_694] : memref<16x16x128xf32, #tpu.memory_space<vmem>> -> memref<1x16x128xf32, #tpu.memory_space<vmem>>
        %dma_start3A_696 = tpu.memref_squeeze %dma_start3A_695 : memref<1x16x128xf32, #tpu.memory_space<vmem>> -> memref<16x128xf32, #tpu.memory_space<vmem>>
        tpu.enqueue_dma source(%arg4 : memref<16x128xf32, #tpu.memory_space<hbm>>) target(%dma_start3A_696 : memref<16x128xf32, #tpu.memory_space<vmem>>) target_semaphore(%arg22 : memref<!tpu.dma_semaphore, #tpu.memory_space<semaphore_mem>>)
      } else {
      }
      %slice3A_201 = vector.extract_strided_slice %get3A_11 {offsets = [14], sizes = [1], strides = [1]} : vector<16xi32> to vector<1xi32>
      %squeeze3A_202 = vector.extract %slice3A_201[0] : i32 from vector<1xi32>
      %shift_right_arithmetic3A_203 = arith.constant 7 : i32
      %shift_right_arithmetic3A_204 = arith.shrsi %squeeze3A_202, %shift_right_arithmetic3A_203 : i32
      %ne3A_205 = arith.constant 7812 : i32
      %ne3A_206 = arith.cmpi ne, %shift_right_arithmetic3A_204, %ne3A_205 : i32
      %convert_element_type3A_207 = arith.extui %ne3A_206 : i1 to i32
      %cond3A_208 = arith.constant 0 : i32
      %cond3A_209 = arith.cmpi ne, %convert_element_type3A_207, %cond3A_208 : i32
      scf.if %cond3A_209 {
        %mul3A_689 = arith.constant 128 : i32
        %mul3A_690 = arith.muli %shift_right_arithmetic3A_204, %mul3A_689 : i32
        %multiple_of3A_691 = tpu.assume_multiple %mul3A_690, 128 : i32
        %dma_start3A = arith.constant 14 : i32
        %dma_start3A_692 = arith.constant 0 : i32
        %dma_start3A_693 = arith.constant 0 : i32
        %dma_start3A_694 = tpu.memref_slice %arg7[%dma_start3A, %dma_start3A_692, %dma_start3A_693] : memref<16x16x128xf32, #tpu.memory_space<vmem>> -> memref<1x16x128xf32, #tpu.memory_space<vmem>>
        %dma_start3A_695 = tpu.memref_squeeze %dma_start3A_694 : memref<1x16x128xf32, #tpu.memory_space<vmem>> -> memref<16x128xf32, #tpu.memory_space<vmem>>
        %dma_start3A_696 = arith.constant 0 : i32
        %dma_start3A_697 = tpu.memref_slice %arg3[%dma_start3A_696, %multiple_of3A_691] : memref<16x1000000xf32, #tpu.memory_space<hbm>> -> memref<16x128xf32, #tpu.memory_space<hbm>>
        %dma_start3A_698 = arith.constant 0 : i32
        %dma_start3A_699 = arith.constant 0 : i32
        %dma_start3A_700 = tpu.memref_slice %arg7[%dma_start3A, %dma_start3A_698, %dma_start3A_699] : memref<16x16x128xf32, #tpu.memory_space<vmem>> -> memref<1x16x128xf32, #tpu.memory_space<vmem>>
        %dma_start3A_701 = tpu.memref_squeeze %dma_start3A_700 : memref<1x16x128xf32, #tpu.memory_space<vmem>> -> memref<16x128xf32, #tpu.memory_space<vmem>>
        %dma_start3A_702 = arith.constant 0 : i32
        %dma_start3A_703 = tpu.memref_slice %arg3[%dma_start3A_702, %multiple_of3A_691] : memref<16x1000000xf32, #tpu.memory_space<hbm>> -> memref<16x128xf32, #tpu.memory_space<hbm>>
        tpu.enqueue_dma source(%dma_start3A_703 : memref<16x128xf32, #tpu.memory_space<hbm>>) target(%dma_start3A_701 : memref<16x128xf32, #tpu.memory_space<vmem>>) target_semaphore(%arg23 : memref<!tpu.dma_semaphore, #tpu.memory_space<semaphore_mem>>)
      } else {
      }
      %eq3A_210 = arith.constant 7812 : i32
      %eq3A_211 = arith.cmpi eq, %shift_right_arithmetic3A_204, %eq3A_210 : i32
      %convert_element_type3A_212 = arith.extui %eq3A_211 : i1 to i32
      %cond3A_213 = arith.constant 0 : i32
      %cond3A_214 = arith.cmpi ne, %convert_element_type3A_212, %cond3A_213 : i32
      scf.if %cond3A_214 {
        %dma_start3A = arith.constant 14 : i32
        %dma_start3A_689 = arith.constant 0 : i32
        %dma_start3A_690 = arith.constant 0 : i32
        %dma_start3A_691 = tpu.memref_slice %arg7[%dma_start3A, %dma_start3A_689, %dma_start3A_690] : memref<16x16x128xf32, #tpu.memory_space<vmem>> -> memref<1x16x128xf32, #tpu.memory_space<vmem>>
        %dma_start3A_692 = tpu.memref_squeeze %dma_start3A_691 : memref<1x16x128xf32, #tpu.memory_space<vmem>> -> memref<16x128xf32, #tpu.memory_space<vmem>>
        %dma_start3A_693 = arith.constant 0 : i32
        %dma_start3A_694 = arith.constant 0 : i32
        %dma_start3A_695 = tpu.memref_slice %arg7[%dma_start3A, %dma_start3A_693, %dma_start3A_694] : memref<16x16x128xf32, #tpu.memory_space<vmem>> -> memref<1x16x128xf32, #tpu.memory_space<vmem>>
        %dma_start3A_696 = tpu.memref_squeeze %dma_start3A_695 : memref<1x16x128xf32, #tpu.memory_space<vmem>> -> memref<16x128xf32, #tpu.memory_space<vmem>>
        tpu.enqueue_dma source(%arg4 : memref<16x128xf32, #tpu.memory_space<hbm>>) target(%dma_start3A_696 : memref<16x128xf32, #tpu.memory_space<vmem>>) target_semaphore(%arg23 : memref<!tpu.dma_semaphore, #tpu.memory_space<semaphore_mem>>)
      } else {
      }
      %slice3A_215 = vector.extract_strided_slice %get3A_11 {offsets = [15], sizes = [1], strides = [1]} : vector<16xi32> to vector<1xi32>
      %squeeze3A_216 = vector.extract %slice3A_215[0] : i32 from vector<1xi32>
      %shift_right_arithmetic3A_217 = arith.constant 7 : i32
      %shift_right_arithmetic3A_218 = arith.shrsi %squeeze3A_216, %shift_right_arithmetic3A_217 : i32
      %ne3A_219 = arith.constant 7812 : i32
      %ne3A_220 = arith.cmpi ne, %shift_right_arithmetic3A_218, %ne3A_219 : i32
      %convert_element_type3A_221 = arith.extui %ne3A_220 : i1 to i32
      %cond3A_222 = arith.constant 0 : i32
      %cond3A_223 = arith.cmpi ne, %convert_element_type3A_221, %cond3A_222 : i32
      scf.if %cond3A_223 {
        %mul3A_689 = arith.constant 128 : i32
        %mul3A_690 = arith.muli %shift_right_arithmetic3A_218, %mul3A_689 : i32
        %multiple_of3A_691 = tpu.assume_multiple %mul3A_690, 128 : i32
        %dma_start3A = arith.constant 15 : i32
        %dma_start3A_692 = arith.constant 0 : i32
        %dma_start3A_693 = arith.constant 0 : i32
        %dma_start3A_694 = tpu.memref_slice %arg7[%dma_start3A, %dma_start3A_692, %dma_start3A_693] : memref<16x16x128xf32, #tpu.memory_space<vmem>> -> memref<1x16x128xf32, #tpu.memory_space<vmem>>
        %dma_start3A_695 = tpu.memref_squeeze %dma_start3A_694 : memref<1x16x128xf32, #tpu.memory_space<vmem>> -> memref<16x128xf32, #tpu.memory_space<vmem>>
        %dma_start3A_696 = arith.constant 0 : i32
        %dma_start3A_697 = tpu.memref_slice %arg3[%dma_start3A_696, %multiple_of3A_691] : memref<16x1000000xf32, #tpu.memory_space<hbm>> -> memref<16x128xf32, #tpu.memory_space<hbm>>
        %dma_start3A_698 = arith.constant 0 : i32
        %dma_start3A_699 = arith.constant 0 : i32
        %dma_start3A_700 = tpu.memref_slice %arg7[%dma_start3A, %dma_start3A_698, %dma_start3A_699] : memref<16x16x128xf32, #tpu.memory_space<vmem>> -> memref<1x16x128xf32, #tpu.memory_space<vmem>>
        %dma_start3A_701 = tpu.memref_squeeze %dma_start3A_700 : memref<1x16x128xf32, #tpu.memory_space<vmem>> -> memref<16x128xf32, #tpu.memory_space<vmem>>
        %dma_start3A_702 = arith.constant 0 : i32
        %dma_start3A_703 = tpu.memref_slice %arg3[%dma_start3A_702, %multiple_of3A_691] : memref<16x1000000xf32, #tpu.memory_space<hbm>> -> memref<16x128xf32, #tpu.memory_space<hbm>>
        tpu.enqueue_dma source(%dma_start3A_703 : memref<16x128xf32, #tpu.memory_space<hbm>>) target(%dma_start3A_701 : memref<16x128xf32, #tpu.memory_space<vmem>>) target_semaphore(%arg24 : memref<!tpu.dma_semaphore, #tpu.memory_space<semaphore_mem>>)
      } else {
      }
      %eq3A_224 = arith.constant 7812 : i32
      %eq3A_225 = arith.cmpi eq, %shift_right_arithmetic3A_218, %eq3A_224 : i32
      %convert_element_type3A_226 = arith.extui %eq3A_225 : i1 to i32
      %cond3A_227 = arith.constant 0 : i32
      %cond3A_228 = arith.cmpi ne, %convert_element_type3A_226, %cond3A_227 : i32
      scf.if %cond3A_228 {
        %dma_start3A = arith.constant 15 : i32
        %dma_start3A_689 = arith.constant 0 : i32
        %dma_start3A_690 = arith.constant 0 : i32
        %dma_start3A_691 = tpu.memref_slice %arg7[%dma_start3A, %dma_start3A_689, %dma_start3A_690] : memref<16x16x128xf32, #tpu.memory_space<vmem>> -> memref<1x16x128xf32, #tpu.memory_space<vmem>>
        %dma_start3A_692 = tpu.memref_squeeze %dma_start3A_691 : memref<1x16x128xf32, #tpu.memory_space<vmem>> -> memref<16x128xf32, #tpu.memory_space<vmem>>
        %dma_start3A_693 = arith.constant 0 : i32
        %dma_start3A_694 = arith.constant 0 : i32
        %dma_start3A_695 = tpu.memref_slice %arg7[%dma_start3A, %dma_start3A_693, %dma_start3A_694] : memref<16x16x128xf32, #tpu.memory_space<vmem>> -> memref<1x16x128xf32, #tpu.memory_space<vmem>>
        %dma_start3A_696 = tpu.memref_squeeze %dma_start3A_695 : memref<1x16x128xf32, #tpu.memory_space<vmem>> -> memref<16x128xf32, #tpu.memory_space<vmem>>
        tpu.enqueue_dma source(%arg4 : memref<16x128xf32, #tpu.memory_space<hbm>>) target(%dma_start3A_696 : memref<16x128xf32, #tpu.memory_space<vmem>>) target_semaphore(%arg24 : memref<!tpu.dma_semaphore, #tpu.memory_space<semaphore_mem>>)
      } else {
      }
      %slice3A_229 = vector.extract_strided_slice %get3A_11 {offsets = [0], sizes = [1], strides = [1]} : vector<16xi32> to vector<1xi32>
      %squeeze3A_230 = vector.extract %slice3A_229[0] : i32 from vector<1xi32>
      %add3A_231 = arith.constant 0 : i32
      %add3A_232 = arith.addi %mul3A_10, %add3A_231 : i32
      %dma_wait3A = arith.constant 0 : i32
      %dma_wait3A_233 = arith.constant 0 : i32
      %dma_wait3A_234 = arith.constant 0 : i32
      %dma_wait3A_235 = tpu.memref_slice %arg7[%dma_wait3A, %dma_wait3A_233, %dma_wait3A_234] : memref<16x16x128xf32, #tpu.memory_space<vmem>> -> memref<1x16x128xf32, #tpu.memory_space<vmem>>
      %dma_wait3A_236 = tpu.memref_squeeze %dma_wait3A_235 : memref<1x16x128xf32, #tpu.memory_space<vmem>> -> memref<16x128xf32, #tpu.memory_space<vmem>>
      %dma_wait3A_237 = arith.constant 0 : i32
      %dma_wait3A_238 = arith.constant 0 : i32
      %dma_wait3A_239 = tpu.memref_slice %arg3[%dma_wait3A_237, %dma_wait3A_238] : memref<16x1000000xf32, #tpu.memory_space<hbm>> -> memref<16x128xf32, #tpu.memory_space<hbm>>
      %dma_wait3A_240 = arith.constant 0 : i32
      %dma_wait3A_241 = arith.constant 0 : i32
      %dma_wait3A_242 = tpu.memref_slice %arg7[%dma_wait3A, %dma_wait3A_240, %dma_wait3A_241] : memref<16x16x128xf32, #tpu.memory_space<vmem>> -> memref<1x16x128xf32, #tpu.memory_space<vmem>>
      %dma_wait3A_243 = tpu.memref_squeeze %dma_wait3A_242 : memref<1x16x128xf32, #tpu.memory_space<vmem>> -> memref<16x128xf32, #tpu.memory_space<vmem>>
      %dma_wait3A_244 = arith.constant 0 : i32
      %dma_wait3A_245 = arith.constant 0 : i32
      %dma_wait3A_246 = tpu.memref_slice %arg3[%dma_wait3A_244, %dma_wait3A_245] : memref<16x1000000xf32, #tpu.memory_space<hbm>> -> memref<16x128xf32, #tpu.memory_space<hbm>>
      tpu.wait_dma2 semaphore(%arg9 : memref<!tpu.dma_semaphore, #tpu.memory_space<semaphore_mem>>) src(%dma_wait3A_246 : memref<16x128xf32, #tpu.memory_space<hbm>>) dst(%dma_wait3A_243 : memref<16x128xf32, #tpu.memory_space<vmem>>)
      %and3A = arith.constant 127 : i32
      %and3A_247 = arith.andi %squeeze3A_230, %and3A : i32
      %broadcast_in_dim3A = vector.broadcast %and3A_247 : i32 to vector<16xi32>
      %gather3A = arith.constant 0 : i32
      %gather3A_248 = arith.constant 0 : i32
      %gather3A_249 = arith.constant 0 : i32
      %gather3A_250 = tpu.memref_slice %arg7[%gather3A, %gather3A_248, %gather3A_249] : memref<16x16x128xf32, #tpu.memory_space<vmem>> -> memref<1x16x128xf32, #tpu.memory_space<vmem>>
      %gather3A_251 = tpu.memref_squeeze %gather3A_250 : memref<1x16x128xf32, #tpu.memory_space<vmem>> -> memref<16x128xf32, #tpu.memory_space<vmem>>
      %gather3A_252 = tpu.vector_load_idx %gather3A_251[%iota3A, %broadcast_in_dim3A] : memref<16x128xf32, #tpu.memory_space<vmem>>[vector<16xi32>, vector<16xi32>], vector<16xf32>,
      %broadcast_in_dim3A_253 = vector.broadcast %add3A_232 : i32 to vector<16xi32>
      tpu.vector_store_idx %arg8[%iota3A, %broadcast_in_dim3A_253], %gather3A_252 : memref<16x512xf32, #tpu.memory_space<vmem>>[vector<16xi32>, vector<16xi32>], vector<16xf32>,
      %slice3A_254 = vector.extract_strided_slice %get3A_11 {offsets = [1], sizes = [1], strides = [1]} : vector<16xi32> to vector<1xi32>
      %squeeze3A_255 = vector.extract %slice3A_254[0] : i32 from vector<1xi32>
      %add3A_256 = arith.constant 1 : i32
      %add3A_257 = arith.addi %mul3A_10, %add3A_256 : i32
      %dma_wait3A_258 = arith.constant 1 : i32
      %dma_wait3A_259 = arith.constant 0 : i32
      %dma_wait3A_260 = arith.constant 0 : i32
      %dma_wait3A_261 = tpu.memref_slice %arg7[%dma_wait3A_258, %dma_wait3A_259, %dma_wait3A_260] : memref<16x16x128xf32, #tpu.memory_space<vmem>> -> memref<1x16x128xf32, #tpu.memory_space<vmem>>
      %dma_wait3A_262 = tpu.memref_squeeze %dma_wait3A_261 : memref<1x16x128xf32, #tpu.memory_space<vmem>> -> memref<16x128xf32, #tpu.memory_space<vmem>>
      %dma_wait3A_263 = arith.constant 0 : i32
      %dma_wait3A_264 = arith.constant 0 : i32
      %dma_wait3A_265 = tpu.memref_slice %arg3[%dma_wait3A_263, %dma_wait3A_264] : memref<16x1000000xf32, #tpu.memory_space<hbm>> -> memref<16x128xf32, #tpu.memory_space<hbm>>
      %dma_wait3A_266 = arith.constant 0 : i32
      %dma_wait3A_267 = arith.constant 0 : i32
      %dma_wait3A_268 = tpu.memref_slice %arg7[%dma_wait3A_258, %dma_wait3A_266, %dma_wait3A_267] : memref<16x16x128xf32, #tpu.memory_space<vmem>> -> memref<1x16x128xf32, #tpu.memory_space<vmem>>
      %dma_wait3A_269 = tpu.memref_squeeze %dma_wait3A_268 : memref<1x16x128xf32, #tpu.memory_space<vmem>> -> memref<16x128xf32, #tpu.memory_space<vmem>>
      %dma_wait3A_270 = arith.constant 0 : i32
      %dma_wait3A_271 = arith.constant 0 : i32
      %dma_wait3A_272 = tpu.memref_slice %arg3[%dma_wait3A_270, %dma_wait3A_271] : memref<16x1000000xf32, #tpu.memory_space<hbm>> -> memref<16x128xf32, #tpu.memory_space<hbm>>
      tpu.wait_dma2 semaphore(%arg10 : memref<!tpu.dma_semaphore, #tpu.memory_space<semaphore_mem>>) src(%dma_wait3A_272 : memref<16x128xf32, #tpu.memory_space<hbm>>) dst(%dma_wait3A_269 : memref<16x128xf32, #tpu.memory_space<vmem>>)
      %and3A_273 = arith.constant 127 : i32
      %and3A_274 = arith.andi %squeeze3A_255, %and3A_273 : i32
      %broadcast_in_dim3A_275 = vector.broadcast %and3A_274 : i32 to vector<16xi32>
      %gather3A_276 = arith.constant 1 : i32
      %gather3A_277 = arith.constant 0 : i32
      %gather3A_278 = arith.constant 0 : i32
      %gather3A_279 = tpu.memref_slice %arg7[%gather3A_276, %gather3A_277, %gather3A_278] : memref<16x16x128xf32, #tpu.memory_space<vmem>> -> memref<1x16x128xf32, #tpu.memory_space<vmem>>
      %gather3A_280 = tpu.memref_squeeze %gather3A_279 : memref<1x16x128xf32, #tpu.memory_space<vmem>> -> memref<16x128xf32, #tpu.memory_space<vmem>>
      %gather3A_281 = tpu.vector_load_idx %gather3A_280[%iota3A, %broadcast_in_dim3A_275] : memref<16x128xf32, #tpu.memory_space<vmem>>[vector<16xi32>, vector<16xi32>], vector<16xf32>,
      %broadcast_in_dim3A_282 = vector.broadcast %add3A_257 : i32 to vector<16xi32>
      tpu.vector_store_idx %arg8[%iota3A, %broadcast_in_dim3A_282], %gather3A_281 : memref<16x512xf32, #tpu.memory_space<vmem>>[vector<16xi32>, vector<16xi32>], vector<16xf32>,
      %slice3A_283 = vector.extract_strided_slice %get3A_11 {offsets = [2], sizes = [1], strides = [1]} : vector<16xi32> to vector<1xi32>
      %squeeze3A_284 = vector.extract %slice3A_283[0] : i32 from vector<1xi32>
      %add3A_285 = arith.constant 2 : i32
      %add3A_286 = arith.addi %mul3A_10, %add3A_285 : i32
      %dma_wait3A_287 = arith.constant 2 : i32
      %dma_wait3A_288 = arith.constant 0 : i32
      %dma_wait3A_289 = arith.constant 0 : i32
      %dma_wait3A_290 = tpu.memref_slice %arg7[%dma_wait3A_287, %dma_wait3A_288, %dma_wait3A_289] : memref<16x16x128xf32, #tpu.memory_space<vmem>> -> memref<1x16x128xf32, #tpu.memory_space<vmem>>
      %dma_wait3A_291 = tpu.memref_squeeze %dma_wait3A_290 : memref<1x16x128xf32, #tpu.memory_space<vmem>> -> memref<16x128xf32, #tpu.memory_space<vmem>>
      %dma_wait3A_292 = arith.constant 0 : i32
      %dma_wait3A_293 = arith.constant 0 : i32
      %dma_wait3A_294 = tpu.memref_slice %arg3[%dma_wait3A_292, %dma_wait3A_293] : memref<16x1000000xf32, #tpu.memory_space<hbm>> -> memref<16x128xf32, #tpu.memory_space<hbm>>
      %dma_wait3A_295 = arith.constant 0 : i32
      %dma_wait3A_296 = arith.constant 0 : i32
      %dma_wait3A_297 = tpu.memref_slice %arg7[%dma_wait3A_287, %dma_wait3A_295, %dma_wait3A_296] : memref<16x16x128xf32, #tpu.memory_space<vmem>> -> memref<1x16x128xf32, #tpu.memory_space<vmem>>
      %dma_wait3A_298 = tpu.memref_squeeze %dma_wait3A_297 : memref<1x16x128xf32, #tpu.memory_space<vmem>> -> memref<16x128xf32, #tpu.memory_space<vmem>>
      %dma_wait3A_299 = arith.constant 0 : i32
      %dma_wait3A_300 = arith.constant 0 : i32
      %dma_wait3A_301 = tpu.memref_slice %arg3[%dma_wait3A_299, %dma_wait3A_300] : memref<16x1000000xf32, #tpu.memory_space<hbm>> -> memref<16x128xf32, #tpu.memory_space<hbm>>
      tpu.wait_dma2 semaphore(%arg11 : memref<!tpu.dma_semaphore, #tpu.memory_space<semaphore_mem>>) src(%dma_wait3A_301 : memref<16x128xf32, #tpu.memory_space<hbm>>) dst(%dma_wait3A_298 : memref<16x128xf32, #tpu.memory_space<vmem>>)
      %and3A_302 = arith.constant 127 : i32
      %and3A_303 = arith.andi %squeeze3A_284, %and3A_302 : i32
      %broadcast_in_dim3A_304 = vector.broadcast %and3A_303 : i32 to vector<16xi32>
      %gather3A_305 = arith.constant 2 : i32
      %gather3A_306 = arith.constant 0 : i32
      %gather3A_307 = arith.constant 0 : i32
      %gather3A_308 = tpu.memref_slice %arg7[%gather3A_305, %gather3A_306, %gather3A_307] : memref<16x16x128xf32, #tpu.memory_space<vmem>> -> memref<1x16x128xf32, #tpu.memory_space<vmem>>
      %gather3A_309 = tpu.memref_squeeze %gather3A_308 : memref<1x16x128xf32, #tpu.memory_space<vmem>> -> memref<16x128xf32, #tpu.memory_space<vmem>>
      %gather3A_310 = tpu.vector_load_idx %gather3A_309[%iota3A, %broadcast_in_dim3A_304] : memref<16x128xf32, #tpu.memory_space<vmem>>[vector<16xi32>, vector<16xi32>], vector<16xf32>,
      %broadcast_in_dim3A_311 = vector.broadcast %add3A_286 : i32 to vector<16xi32>
      tpu.vector_store_idx %arg8[%iota3A, %broadcast_in_dim3A_311], %gather3A_310 : memref<16x512xf32, #tpu.memory_space<vmem>>[vector<16xi32>, vector<16xi32>], vector<16xf32>,
      %slice3A_312 = vector.extract_strided_slice %get3A_11 {offsets = [3], sizes = [1], strides = [1]} : vector<16xi32> to vector<1xi32>
      %squeeze3A_313 = vector.extract %slice3A_312[0] : i32 from vector<1xi32>
      %add3A_314 = arith.constant 3 : i32
      %add3A_315 = arith.addi %mul3A_10, %add3A_314 : i32
      %dma_wait3A_316 = arith.constant 3 : i32
      %dma_wait3A_317 = arith.constant 0 : i32
      %dma_wait3A_318 = arith.constant 0 : i32
      %dma_wait3A_319 = tpu.memref_slice %arg7[%dma_wait3A_316, %dma_wait3A_317, %dma_wait3A_318] : memref<16x16x128xf32, #tpu.memory_space<vmem>> -> memref<1x16x128xf32, #tpu.memory_space<vmem>>
      %dma_wait3A_320 = tpu.memref_squeeze %dma_wait3A_319 : memref<1x16x128xf32, #tpu.memory_space<vmem>> -> memref<16x128xf32, #tpu.memory_space<vmem>>
      %dma_wait3A_321 = arith.constant 0 : i32
      %dma_wait3A_322 = arith.constant 0 : i32
      %dma_wait3A_323 = tpu.memref_slice %arg3[%dma_wait3A_321, %dma_wait3A_322] : memref<16x1000000xf32, #tpu.memory_space<hbm>> -> memref<16x128xf32, #tpu.memory_space<hbm>>
      %dma_wait3A_324 = arith.constant 0 : i32
      %dma_wait3A_325 = arith.constant 0 : i32
      %dma_wait3A_326 = tpu.memref_slice %arg7[%dma_wait3A_316, %dma_wait3A_324, %dma_wait3A_325] : memref<16x16x128xf32, #tpu.memory_space<vmem>> -> memref<1x16x128xf32, #tpu.memory_space<vmem>>
      %dma_wait3A_327 = tpu.memref_squeeze %dma_wait3A_326 : memref<1x16x128xf32, #tpu.memory_space<vmem>> -> memref<16x128xf32, #tpu.memory_space<vmem>>
      %dma_wait3A_328 = arith.constant 0 : i32
      %dma_wait3A_329 = arith.constant 0 : i32
      %dma_wait3A_330 = tpu.memref_slice %arg3[%dma_wait3A_328, %dma_wait3A_329] : memref<16x1000000xf32, #tpu.memory_space<hbm>> -> memref<16x128xf32, #tpu.memory_space<hbm>>
      tpu.wait_dma2 semaphore(%arg12 : memref<!tpu.dma_semaphore, #tpu.memory_space<semaphore_mem>>) src(%dma_wait3A_330 : memref<16x128xf32, #tpu.memory_space<hbm>>) dst(%dma_wait3A_327 : memref<16x128xf32, #tpu.memory_space<vmem>>)
      %and3A_331 = arith.constant 127 : i32
      %and3A_332 = arith.andi %squeeze3A_313, %and3A_331 : i32
      %broadcast_in_dim3A_333 = vector.broadcast %and3A_332 : i32 to vector<16xi32>
      %gather3A_334 = arith.constant 3 : i32
      %gather3A_335 = arith.constant 0 : i32
      %gather3A_336 = arith.constant 0 : i32
      %gather3A_337 = tpu.memref_slice %arg7[%gather3A_334, %gather3A_335, %gather3A_336] : memref<16x16x128xf32, #tpu.memory_space<vmem>> -> memref<1x16x128xf32, #tpu.memory_space<vmem>>
      %gather3A_338 = tpu.memref_squeeze %gather3A_337 : memref<1x16x128xf32, #tpu.memory_space<vmem>> -> memref<16x128xf32, #tpu.memory_space<vmem>>
      %gather3A_339 = tpu.vector_load_idx %gather3A_338[%iota3A, %broadcast_in_dim3A_333] : memref<16x128xf32, #tpu.memory_space<vmem>>[vector<16xi32>, vector<16xi32>], vector<16xf32>,
      %broadcast_in_dim3A_340 = vector.broadcast %add3A_315 : i32 to vector<16xi32>
      tpu.vector_store_idx %arg8[%iota3A, %broadcast_in_dim3A_340], %gather3A_339 : memref<16x512xf32, #tpu.memory_space<vmem>>[vector<16xi32>, vector<16xi32>], vector<16xf32>,
      %slice3A_341 = vector.extract_strided_slice %get3A_11 {offsets = [4], sizes = [1], strides = [1]} : vector<16xi32> to vector<1xi32>
      %squeeze3A_342 = vector.extract %slice3A_341[0] : i32 from vector<1xi32>
      %add3A_343 = arith.constant 4 : i32
      %add3A_344 = arith.addi %mul3A_10, %add3A_343 : i32
      %dma_wait3A_345 = arith.constant 4 : i32
      %dma_wait3A_346 = arith.constant 0 : i32
      %dma_wait3A_347 = arith.constant 0 : i32
      %dma_wait3A_348 = tpu.memref_slice %arg7[%dma_wait3A_345, %dma_wait3A_346, %dma_wait3A_347] : memref<16x16x128xf32, #tpu.memory_space<vmem>> -> memref<1x16x128xf32, #tpu.memory_space<vmem>>
      %dma_wait3A_349 = tpu.memref_squeeze %dma_wait3A_348 : memref<1x16x128xf32, #tpu.memory_space<vmem>> -> memref<16x128xf32, #tpu.memory_space<vmem>>
      %dma_wait3A_350 = arith.constant 0 : i32
      %dma_wait3A_351 = arith.constant 0 : i32
      %dma_wait3A_352 = tpu.memref_slice %arg3[%dma_wait3A_350, %dma_wait3A_351] : memref<16x1000000xf32, #tpu.memory_space<hbm>> -> memref<16x128xf32, #tpu.memory_space<hbm>>
      %dma_wait3A_353 = arith.constant 0 : i32
      %dma_wait3A_354 = arith.constant 0 : i32
      %dma_wait3A_355 = tpu.memref_slice %arg7[%dma_wait3A_345, %dma_wait3A_353, %dma_wait3A_354] : memref<16x16x128xf32, #tpu.memory_space<vmem>> -> memref<1x16x128xf32, #tpu.memory_space<vmem>>
      %dma_wait3A_356 = tpu.memref_squeeze %dma_wait3A_355 : memref<1x16x128xf32, #tpu.memory_space<vmem>> -> memref<16x128xf32, #tpu.memory_space<vmem>>
      %dma_wait3A_357 = arith.constant 0 : i32
      %dma_wait3A_358 = arith.constant 0 : i32
      %dma_wait3A_359 = tpu.memref_slice %arg3[%dma_wait3A_357, %dma_wait3A_358] : memref<16x1000000xf32, #tpu.memory_space<hbm>> -> memref<16x128xf32, #tpu.memory_space<hbm>>
      tpu.wait_dma2 semaphore(%arg13 : memref<!tpu.dma_semaphore, #tpu.memory_space<semaphore_mem>>) src(%dma_wait3A_359 : memref<16x128xf32, #tpu.memory_space<hbm>>) dst(%dma_wait3A_356 : memref<16x128xf32, #tpu.memory_space<vmem>>)
      %and3A_360 = arith.constant 127 : i32
      %and3A_361 = arith.andi %squeeze3A_342, %and3A_360 : i32
      %broadcast_in_dim3A_362 = vector.broadcast %and3A_361 : i32 to vector<16xi32>
      %gather3A_363 = arith.constant 4 : i32
      %gather3A_364 = arith.constant 0 : i32
      %gather3A_365 = arith.constant 0 : i32
      %gather3A_366 = tpu.memref_slice %arg7[%gather3A_363, %gather3A_364, %gather3A_365] : memref<16x16x128xf32, #tpu.memory_space<vmem>> -> memref<1x16x128xf32, #tpu.memory_space<vmem>>
      %gather3A_367 = tpu.memref_squeeze %gather3A_366 : memref<1x16x128xf32, #tpu.memory_space<vmem>> -> memref<16x128xf32, #tpu.memory_space<vmem>>
      %gather3A_368 = tpu.vector_load_idx %gather3A_367[%iota3A, %broadcast_in_dim3A_362] : memref<16x128xf32, #tpu.memory_space<vmem>>[vector<16xi32>, vector<16xi32>], vector<16xf32>,
      %broadcast_in_dim3A_369 = vector.broadcast %add3A_344 : i32 to vector<16xi32>
      tpu.vector_store_idx %arg8[%iota3A, %broadcast_in_dim3A_369], %gather3A_368 : memref<16x512xf32, #tpu.memory_space<vmem>>[vector<16xi32>, vector<16xi32>], vector<16xf32>,
      %slice3A_370 = vector.extract_strided_slice %get3A_11 {offsets = [5], sizes = [1], strides = [1]} : vector<16xi32> to vector<1xi32>
      %squeeze3A_371 = vector.extract %slice3A_370[0] : i32 from vector<1xi32>
      %add3A_372 = arith.constant 5 : i32
      %add3A_373 = arith.addi %mul3A_10, %add3A_372 : i32
      %dma_wait3A_374 = arith.constant 5 : i32
      %dma_wait3A_375 = arith.constant 0 : i32
      %dma_wait3A_376 = arith.constant 0 : i32
      %dma_wait3A_377 = tpu.memref_slice %arg7[%dma_wait3A_374, %dma_wait3A_375, %dma_wait3A_376] : memref<16x16x128xf32, #tpu.memory_space<vmem>> -> memref<1x16x128xf32, #tpu.memory_space<vmem>>
      %dma_wait3A_378 = tpu.memref_squeeze %dma_wait3A_377 : memref<1x16x128xf32, #tpu.memory_space<vmem>> -> memref<16x128xf32, #tpu.memory_space<vmem>>
      %dma_wait3A_379 = arith.constant 0 : i32
      %dma_wait3A_380 = arith.constant 0 : i32
      %dma_wait3A_381 = tpu.memref_slice %arg3[%dma_wait3A_379, %dma_wait3A_380] : memref<16x1000000xf32, #tpu.memory_space<hbm>> -> memref<16x128xf32, #tpu.memory_space<hbm>>
      %dma_wait3A_382 = arith.constant 0 : i32
      %dma_wait3A_383 = arith.constant 0 : i32
      %dma_wait3A_384 = tpu.memref_slice %arg7[%dma_wait3A_374, %dma_wait3A_382, %dma_wait3A_383] : memref<16x16x128xf32, #tpu.memory_space<vmem>> -> memref<1x16x128xf32, #tpu.memory_space<vmem>>
      %dma_wait3A_385 = tpu.memref_squeeze %dma_wait3A_384 : memref<1x16x128xf32, #tpu.memory_space<vmem>> -> memref<16x128xf32, #tpu.memory_space<vmem>>
      %dma_wait3A_386 = arith.constant 0 : i32
      %dma_wait3A_387 = arith.constant 0 : i32
      %dma_wait3A_388 = tpu.memref_slice %arg3[%dma_wait3A_386, %dma_wait3A_387] : memref<16x1000000xf32, #tpu.memory_space<hbm>> -> memref<16x128xf32, #tpu.memory_space<hbm>>
      tpu.wait_dma2 semaphore(%arg14 : memref<!tpu.dma_semaphore, #tpu.memory_space<semaphore_mem>>) src(%dma_wait3A_388 : memref<16x128xf32, #tpu.memory_space<hbm>>) dst(%dma_wait3A_385 : memref<16x128xf32, #tpu.memory_space<vmem>>)
      %and3A_389 = arith.constant 127 : i32
      %and3A_390 = arith.andi %squeeze3A_371, %and3A_389 : i32
      %broadcast_in_dim3A_391 = vector.broadcast %and3A_390 : i32 to vector<16xi32>
      %gather3A_392 = arith.constant 5 : i32
      %gather3A_393 = arith.constant 0 : i32
      %gather3A_394 = arith.constant 0 : i32
      %gather3A_395 = tpu.memref_slice %arg7[%gather3A_392, %gather3A_393, %gather3A_394] : memref<16x16x128xf32, #tpu.memory_space<vmem>> -> memref<1x16x128xf32, #tpu.memory_space<vmem>>
      %gather3A_396 = tpu.memref_squeeze %gather3A_395 : memref<1x16x128xf32, #tpu.memory_space<vmem>> -> memref<16x128xf32, #tpu.memory_space<vmem>>
      %gather3A_397 = tpu.vector_load_idx %gather3A_396[%iota3A, %broadcast_in_dim3A_391] : memref<16x128xf32, #tpu.memory_space<vmem>>[vector<16xi32>, vector<16xi32>], vector<16xf32>,
      %broadcast_in_dim3A_398 = vector.broadcast %add3A_373 : i32 to vector<16xi32>
      tpu.vector_store_idx %arg8[%iota3A, %broadcast_in_dim3A_398], %gather3A_397 : memref<16x512xf32, #tpu.memory_space<vmem>>[vector<16xi32>, vector<16xi32>], vector<16xf32>,
      %slice3A_399 = vector.extract_strided_slice %get3A_11 {offsets = [6], sizes = [1], strides = [1]} : vector<16xi32> to vector<1xi32>
      %squeeze3A_400 = vector.extract %slice3A_399[0] : i32 from vector<1xi32>
      %add3A_401 = arith.constant 6 : i32
      %add3A_402 = arith.addi %mul3A_10, %add3A_401 : i32
      %dma_wait3A_403 = arith.constant 6 : i32
      %dma_wait3A_404 = arith.constant 0 : i32
      %dma_wait3A_405 = arith.constant 0 : i32
      %dma_wait3A_406 = tpu.memref_slice %arg7[%dma_wait3A_403, %dma_wait3A_404, %dma_wait3A_405] : memref<16x16x128xf32, #tpu.memory_space<vmem>> -> memref<1x16x128xf32, #tpu.memory_space<vmem>>
      %dma_wait3A_407 = tpu.memref_squeeze %dma_wait3A_406 : memref<1x16x128xf32, #tpu.memory_space<vmem>> -> memref<16x128xf32, #tpu.memory_space<vmem>>
      %dma_wait3A_408 = arith.constant 0 : i32
      %dma_wait3A_409 = arith.constant 0 : i32
      %dma_wait3A_410 = tpu.memref_slice %arg3[%dma_wait3A_408, %dma_wait3A_409] : memref<16x1000000xf32, #tpu.memory_space<hbm>> -> memref<16x128xf32, #tpu.memory_space<hbm>>
      %dma_wait3A_411 = arith.constant 0 : i32
      %dma_wait3A_412 = arith.constant 0 : i32
      %dma_wait3A_413 = tpu.memref_slice %arg7[%dma_wait3A_403, %dma_wait3A_411, %dma_wait3A_412] : memref<16x16x128xf32, #tpu.memory_space<vmem>> -> memref<1x16x128xf32, #tpu.memory_space<vmem>>
      %dma_wait3A_414 = tpu.memref_squeeze %dma_wait3A_413 : memref<1x16x128xf32, #tpu.memory_space<vmem>> -> memref<16x128xf32, #tpu.memory_space<vmem>>
      %dma_wait3A_415 = arith.constant 0 : i32
      %dma_wait3A_416 = arith.constant 0 : i32
      %dma_wait3A_417 = tpu.memref_slice %arg3[%dma_wait3A_415, %dma_wait3A_416] : memref<16x1000000xf32, #tpu.memory_space<hbm>> -> memref<16x128xf32, #tpu.memory_space<hbm>>
      tpu.wait_dma2 semaphore(%arg15 : memref<!tpu.dma_semaphore, #tpu.memory_space<semaphore_mem>>) src(%dma_wait3A_417 : memref<16x128xf32, #tpu.memory_space<hbm>>) dst(%dma_wait3A_414 : memref<16x128xf32, #tpu.memory_space<vmem>>)
      %and3A_418 = arith.constant 127 : i32
      %and3A_419 = arith.andi %squeeze3A_400, %and3A_418 : i32
      %broadcast_in_dim3A_420 = vector.broadcast %and3A_419 : i32 to vector<16xi32>
      %gather3A_421 = arith.constant 6 : i32
      %gather3A_422 = arith.constant 0 : i32
      %gather3A_423 = arith.constant 0 : i32
      %gather3A_424 = tpu.memref_slice %arg7[%gather3A_421, %gather3A_422, %gather3A_423] : memref<16x16x128xf32, #tpu.memory_space<vmem>> -> memref<1x16x128xf32, #tpu.memory_space<vmem>>
      %gather3A_425 = tpu.memref_squeeze %gather3A_424 : memref<1x16x128xf32, #tpu.memory_space<vmem>> -> memref<16x128xf32, #tpu.memory_space<vmem>>
      %gather3A_426 = tpu.vector_load_idx %gather3A_425[%iota3A, %broadcast_in_dim3A_420] : memref<16x128xf32, #tpu.memory_space<vmem>>[vector<16xi32>, vector<16xi32>], vector<16xf32>,
      %broadcast_in_dim3A_427 = vector.broadcast %add3A_402 : i32 to vector<16xi32>
      tpu.vector_store_idx %arg8[%iota3A, %broadcast_in_dim3A_427], %gather3A_426 : memref<16x512xf32, #tpu.memory_space<vmem>>[vector<16xi32>, vector<16xi32>], vector<16xf32>,
      %slice3A_428 = vector.extract_strided_slice %get3A_11 {offsets = [7], sizes = [1], strides = [1]} : vector<16xi32> to vector<1xi32>
      %squeeze3A_429 = vector.extract %slice3A_428[0] : i32 from vector<1xi32>
      %add3A_430 = arith.constant 7 : i32
      %add3A_431 = arith.addi %mul3A_10, %add3A_430 : i32
      %dma_wait3A_432 = arith.constant 7 : i32
      %dma_wait3A_433 = arith.constant 0 : i32
      %dma_wait3A_434 = arith.constant 0 : i32
      %dma_wait3A_435 = tpu.memref_slice %arg7[%dma_wait3A_432, %dma_wait3A_433, %dma_wait3A_434] : memref<16x16x128xf32, #tpu.memory_space<vmem>> -> memref<1x16x128xf32, #tpu.memory_space<vmem>>
      %dma_wait3A_436 = tpu.memref_squeeze %dma_wait3A_435 : memref<1x16x128xf32, #tpu.memory_space<vmem>> -> memref<16x128xf32, #tpu.memory_space<vmem>>
      %dma_wait3A_437 = arith.constant 0 : i32
      %dma_wait3A_438 = arith.constant 0 : i32
      %dma_wait3A_439 = tpu.memref_slice %arg3[%dma_wait3A_437, %dma_wait3A_438] : memref<16x1000000xf32, #tpu.memory_space<hbm>> -> memref<16x128xf32, #tpu.memory_space<hbm>>
      %dma_wait3A_440 = arith.constant 0 : i32
      %dma_wait3A_441 = arith.constant 0 : i32
      %dma_wait3A_442 = tpu.memref_slice %arg7[%dma_wait3A_432, %dma_wait3A_440, %dma_wait3A_441] : memref<16x16x128xf32, #tpu.memory_space<vmem>> -> memref<1x16x128xf32, #tpu.memory_space<vmem>>
      %dma_wait3A_443 = tpu.memref_squeeze %dma_wait3A_442 : memref<1x16x128xf32, #tpu.memory_space<vmem>> -> memref<16x128xf32, #tpu.memory_space<vmem>>
      %dma_wait3A_444 = arith.constant 0 : i32
      %dma_wait3A_445 = arith.constant 0 : i32
      %dma_wait3A_446 = tpu.memref_slice %arg3[%dma_wait3A_444, %dma_wait3A_445] : memref<16x1000000xf32, #tpu.memory_space<hbm>> -> memref<16x128xf32, #tpu.memory_space<hbm>>
      tpu.wait_dma2 semaphore(%arg16 : memref<!tpu.dma_semaphore, #tpu.memory_space<semaphore_mem>>) src(%dma_wait3A_446 : memref<16x128xf32, #tpu.memory_space<hbm>>) dst(%dma_wait3A_443 : memref<16x128xf32, #tpu.memory_space<vmem>>)
      %and3A_447 = arith.constant 127 : i32
      %and3A_448 = arith.andi %squeeze3A_429, %and3A_447 : i32
      %broadcast_in_dim3A_449 = vector.broadcast %and3A_448 : i32 to vector<16xi32>
      %gather3A_450 = arith.constant 7 : i32
      %gather3A_451 = arith.constant 0 : i32
      %gather3A_452 = arith.constant 0 : i32
      %gather3A_453 = tpu.memref_slice %arg7[%gather3A_450, %gather3A_451, %gather3A_452] : memref<16x16x128xf32, #tpu.memory_space<vmem>> -> memref<1x16x128xf32, #tpu.memory_space<vmem>>
      %gather3A_454 = tpu.memref_squeeze %gather3A_453 : memref<1x16x128xf32, #tpu.memory_space<vmem>> -> memref<16x128xf32, #tpu.memory_space<vmem>>
      %gather3A_455 = tpu.vector_load_idx %gather3A_454[%iota3A, %broadcast_in_dim3A_449] : memref<16x128xf32, #tpu.memory_space<vmem>>[vector<16xi32>, vector<16xi32>], vector<16xf32>,
      %broadcast_in_dim3A_456 = vector.broadcast %add3A_431 : i32 to vector<16xi32>
      tpu.vector_store_idx %arg8[%iota3A, %broadcast_in_dim3A_456], %gather3A_455 : memref<16x512xf32, #tpu.memory_space<vmem>>[vector<16xi32>, vector<16xi32>], vector<16xf32>,
      %slice3A_457 = vector.extract_strided_slice %get3A_11 {offsets = [8], sizes = [1], strides = [1]} : vector<16xi32> to vector<1xi32>
      %squeeze3A_458 = vector.extract %slice3A_457[0] : i32 from vector<1xi32>
      %add3A_459 = arith.constant 8 : i32
      %add3A_460 = arith.addi %mul3A_10, %add3A_459 : i32
      %dma_wait3A_461 = arith.constant 8 : i32
      %dma_wait3A_462 = arith.constant 0 : i32
      %dma_wait3A_463 = arith.constant 0 : i32
      %dma_wait3A_464 = tpu.memref_slice %arg7[%dma_wait3A_461, %dma_wait3A_462, %dma_wait3A_463] : memref<16x16x128xf32, #tpu.memory_space<vmem>> -> memref<1x16x128xf32, #tpu.memory_space<vmem>>
      %dma_wait3A_465 = tpu.memref_squeeze %dma_wait3A_464 : memref<1x16x128xf32, #tpu.memory_space<vmem>> -> memref<16x128xf32, #tpu.memory_space<vmem>>
      %dma_wait3A_466 = arith.constant 0 : i32
      %dma_wait3A_467 = arith.constant 0 : i32
      %dma_wait3A_468 = tpu.memref_slice %arg3[%dma_wait3A_466, %dma_wait3A_467] : memref<16x1000000xf32, #tpu.memory_space<hbm>> -> memref<16x128xf32, #tpu.memory_space<hbm>>
      %dma_wait3A_469 = arith.constant 0 : i32
      %dma_wait3A_470 = arith.constant 0 : i32
      %dma_wait3A_471 = tpu.memref_slice %arg7[%dma_wait3A_461, %dma_wait3A_469, %dma_wait3A_470] : memref<16x16x128xf32, #tpu.memory_space<vmem>> -> memref<1x16x128xf32, #tpu.memory_space<vmem>>
      %dma_wait3A_472 = tpu.memref_squeeze %dma_wait3A_471 : memref<1x16x128xf32, #tpu.memory_space<vmem>> -> memref<16x128xf32, #tpu.memory_space<vmem>>
      %dma_wait3A_473 = arith.constant 0 : i32
      %dma_wait3A_474 = arith.constant 0 : i32
      %dma_wait3A_475 = tpu.memref_slice %arg3[%dma_wait3A_473, %dma_wait3A_474] : memref<16x1000000xf32, #tpu.memory_space<hbm>> -> memref<16x128xf32, #tpu.memory_space<hbm>>
      tpu.wait_dma2 semaphore(%arg17 : memref<!tpu.dma_semaphore, #tpu.memory_space<semaphore_mem>>) src(%dma_wait3A_475 : memref<16x128xf32, #tpu.memory_space<hbm>>) dst(%dma_wait3A_472 : memref<16x128xf32, #tpu.memory_space<vmem>>)
      %and3A_476 = arith.constant 127 : i32
      %and3A_477 = arith.andi %squeeze3A_458, %and3A_476 : i32
      %broadcast_in_dim3A_478 = vector.broadcast %and3A_477 : i32 to vector<16xi32>
      %gather3A_479 = arith.constant 8 : i32
      %gather3A_480 = arith.constant 0 : i32
      %gather3A_481 = arith.constant 0 : i32
      %gather3A_482 = tpu.memref_slice %arg7[%gather3A_479, %gather3A_480, %gather3A_481] : memref<16x16x128xf32, #tpu.memory_space<vmem>> -> memref<1x16x128xf32, #tpu.memory_space<vmem>>
      %gather3A_483 = tpu.memref_squeeze %gather3A_482 : memref<1x16x128xf32, #tpu.memory_space<vmem>> -> memref<16x128xf32, #tpu.memory_space<vmem>>
      %gather3A_484 = tpu.vector_load_idx %gather3A_483[%iota3A, %broadcast_in_dim3A_478] : memref<16x128xf32, #tpu.memory_space<vmem>>[vector<16xi32>, vector<16xi32>], vector<16xf32>,
      %broadcast_in_dim3A_485 = vector.broadcast %add3A_460 : i32 to vector<16xi32>
      tpu.vector_store_idx %arg8[%iota3A, %broadcast_in_dim3A_485], %gather3A_484 : memref<16x512xf32, #tpu.memory_space<vmem>>[vector<16xi32>, vector<16xi32>], vector<16xf32>,
      %slice3A_486 = vector.extract_strided_slice %get3A_11 {offsets = [9], sizes = [1], strides = [1]} : vector<16xi32> to vector<1xi32>
      %squeeze3A_487 = vector.extract %slice3A_486[0] : i32 from vector<1xi32>
      %add3A_488 = arith.constant 9 : i32
      %add3A_489 = arith.addi %mul3A_10, %add3A_488 : i32
      %dma_wait3A_490 = arith.constant 9 : i32
      %dma_wait3A_491 = arith.constant 0 : i32
      %dma_wait3A_492 = arith.constant 0 : i32
      %dma_wait3A_493 = tpu.memref_slice %arg7[%dma_wait3A_490, %dma_wait3A_491, %dma_wait3A_492] : memref<16x16x128xf32, #tpu.memory_space<vmem>> -> memref<1x16x128xf32, #tpu.memory_space<vmem>>
      %dma_wait3A_494 = tpu.memref_squeeze %dma_wait3A_493 : memref<1x16x128xf32, #tpu.memory_space<vmem>> -> memref<16x128xf32, #tpu.memory_space<vmem>>
      %dma_wait3A_495 = arith.constant 0 : i32
      %dma_wait3A_496 = arith.constant 0 : i32
      %dma_wait3A_497 = tpu.memref_slice %arg3[%dma_wait3A_495, %dma_wait3A_496] : memref<16x1000000xf32, #tpu.memory_space<hbm>> -> memref<16x128xf32, #tpu.memory_space<hbm>>
      %dma_wait3A_498 = arith.constant 0 : i32
      %dma_wait3A_499 = arith.constant 0 : i32
      %dma_wait3A_500 = tpu.memref_slice %arg7[%dma_wait3A_490, %dma_wait3A_498, %dma_wait3A_499] : memref<16x16x128xf32, #tpu.memory_space<vmem>> -> memref<1x16x128xf32, #tpu.memory_space<vmem>>
      %dma_wait3A_501 = tpu.memref_squeeze %dma_wait3A_500 : memref<1x16x128xf32, #tpu.memory_space<vmem>> -> memref<16x128xf32, #tpu.memory_space<vmem>>
      %dma_wait3A_502 = arith.constant 0 : i32
      %dma_wait3A_503 = arith.constant 0 : i32
      %dma_wait3A_504 = tpu.memref_slice %arg3[%dma_wait3A_502, %dma_wait3A_503] : memref<16x1000000xf32, #tpu.memory_space<hbm>> -> memref<16x128xf32, #tpu.memory_space<hbm>>
      tpu.wait_dma2 semaphore(%arg18 : memref<!tpu.dma_semaphore, #tpu.memory_space<semaphore_mem>>) src(%dma_wait3A_504 : memref<16x128xf32, #tpu.memory_space<hbm>>) dst(%dma_wait3A_501 : memref<16x128xf32, #tpu.memory_space<vmem>>)
      %and3A_505 = arith.constant 127 : i32
      %and3A_506 = arith.andi %squeeze3A_487, %and3A_505 : i32
      %broadcast_in_dim3A_507 = vector.broadcast %and3A_506 : i32 to vector<16xi32>
      %gather3A_508 = arith.constant 9 : i32
      %gather3A_509 = arith.constant 0 : i32
      %gather3A_510 = arith.constant 0 : i32
      %gather3A_511 = tpu.memref_slice %arg7[%gather3A_508, %gather3A_509, %gather3A_510] : memref<16x16x128xf32, #tpu.memory_space<vmem>> -> memref<1x16x128xf32, #tpu.memory_space<vmem>>
      %gather3A_512 = tpu.memref_squeeze %gather3A_511 : memref<1x16x128xf32, #tpu.memory_space<vmem>> -> memref<16x128xf32, #tpu.memory_space<vmem>>
      %gather3A_513 = tpu.vector_load_idx %gather3A_512[%iota3A, %broadcast_in_dim3A_507] : memref<16x128xf32, #tpu.memory_space<vmem>>[vector<16xi32>, vector<16xi32>], vector<16xf32>,
      %broadcast_in_dim3A_514 = vector.broadcast %add3A_489 : i32 to vector<16xi32>
      tpu.vector_store_idx %arg8[%iota3A, %broadcast_in_dim3A_514], %gather3A_513 : memref<16x512xf32, #tpu.memory_space<vmem>>[vector<16xi32>, vector<16xi32>], vector<16xf32>,
      %slice3A_515 = vector.extract_strided_slice %get3A_11 {offsets = [10], sizes = [1], strides = [1]} : vector<16xi32> to vector<1xi32>
      %squeeze3A_516 = vector.extract %slice3A_515[0] : i32 from vector<1xi32>
      %add3A_517 = arith.constant 10 : i32
      %add3A_518 = arith.addi %mul3A_10, %add3A_517 : i32
      %dma_wait3A_519 = arith.constant 10 : i32
      %dma_wait3A_520 = arith.constant 0 : i32
      %dma_wait3A_521 = arith.constant 0 : i32
      %dma_wait3A_522 = tpu.memref_slice %arg7[%dma_wait3A_519, %dma_wait3A_520, %dma_wait3A_521] : memref<16x16x128xf32, #tpu.memory_space<vmem>> -> memref<1x16x128xf32, #tpu.memory_space<vmem>>
      %dma_wait3A_523 = tpu.memref_squeeze %dma_wait3A_522 : memref<1x16x128xf32, #tpu.memory_space<vmem>> -> memref<16x128xf32, #tpu.memory_space<vmem>>
      %dma_wait3A_524 = arith.constant 0 : i32
      %dma_wait3A_525 = arith.constant 0 : i32
      %dma_wait3A_526 = tpu.memref_slice %arg3[%dma_wait3A_524, %dma_wait3A_525] : memref<16x1000000xf32, #tpu.memory_space<hbm>> -> memref<16x128xf32, #tpu.memory_space<hbm>>
      %dma_wait3A_527 = arith.constant 0 : i32
      %dma_wait3A_528 = arith.constant 0 : i32
      %dma_wait3A_529 = tpu.memref_slice %arg7[%dma_wait3A_519, %dma_wait3A_527, %dma_wait3A_528] : memref<16x16x128xf32, #tpu.memory_space<vmem>> -> memref<1x16x128xf32, #tpu.memory_space<vmem>>
      %dma_wait3A_530 = tpu.memref_squeeze %dma_wait3A_529 : memref<1x16x128xf32, #tpu.memory_space<vmem>> -> memref<16x128xf32, #tpu.memory_space<vmem>>
      %dma_wait3A_531 = arith.constant 0 : i32
      %dma_wait3A_532 = arith.constant 0 : i32
      %dma_wait3A_533 = tpu.memref_slice %arg3[%dma_wait3A_531, %dma_wait3A_532] : memref<16x1000000xf32, #tpu.memory_space<hbm>> -> memref<16x128xf32, #tpu.memory_space<hbm>>
      tpu.wait_dma2 semaphore(%arg19 : memref<!tpu.dma_semaphore, #tpu.memory_space<semaphore_mem>>) src(%dma_wait3A_533 : memref<16x128xf32, #tpu.memory_space<hbm>>) dst(%dma_wait3A_530 : memref<16x128xf32, #tpu.memory_space<vmem>>)
      %and3A_534 = arith.constant 127 : i32
      %and3A_535 = arith.andi %squeeze3A_516, %and3A_534 : i32
      %broadcast_in_dim3A_536 = vector.broadcast %and3A_535 : i32 to vector<16xi32>
      %gather3A_537 = arith.constant 10 : i32
      %gather3A_538 = arith.constant 0 : i32
      %gather3A_539 = arith.constant 0 : i32
      %gather3A_540 = tpu.memref_slice %arg7[%gather3A_537, %gather3A_538, %gather3A_539] : memref<16x16x128xf32, #tpu.memory_space<vmem>> -> memref<1x16x128xf32, #tpu.memory_space<vmem>>
      %gather3A_541 = tpu.memref_squeeze %gather3A_540 : memref<1x16x128xf32, #tpu.memory_space<vmem>> -> memref<16x128xf32, #tpu.memory_space<vmem>>
      %gather3A_542 = tpu.vector_load_idx %gather3A_541[%iota3A, %broadcast_in_dim3A_536] : memref<16x128xf32, #tpu.memory_space<vmem>>[vector<16xi32>, vector<16xi32>], vector<16xf32>,
      %broadcast_in_dim3A_543 = vector.broadcast %add3A_518 : i32 to vector<16xi32>
      tpu.vector_store_idx %arg8[%iota3A, %broadcast_in_dim3A_543], %gather3A_542 : memref<16x512xf32, #tpu.memory_space<vmem>>[vector<16xi32>, vector<16xi32>], vector<16xf32>,
      %slice3A_544 = vector.extract_strided_slice %get3A_11 {offsets = [11], sizes = [1], strides = [1]} : vector<16xi32> to vector<1xi32>
      %squeeze3A_545 = vector.extract %slice3A_544[0] : i32 from vector<1xi32>
      %add3A_546 = arith.constant 11 : i32
      %add3A_547 = arith.addi %mul3A_10, %add3A_546 : i32
      %dma_wait3A_548 = arith.constant 11 : i32
      %dma_wait3A_549 = arith.constant 0 : i32
      %dma_wait3A_550 = arith.constant 0 : i32
      %dma_wait3A_551 = tpu.memref_slice %arg7[%dma_wait3A_548, %dma_wait3A_549, %dma_wait3A_550] : memref<16x16x128xf32, #tpu.memory_space<vmem>> -> memref<1x16x128xf32, #tpu.memory_space<vmem>>
      %dma_wait3A_552 = tpu.memref_squeeze %dma_wait3A_551 : memref<1x16x128xf32, #tpu.memory_space<vmem>> -> memref<16x128xf32, #tpu.memory_space<vmem>>
      %dma_wait3A_553 = arith.constant 0 : i32
      %dma_wait3A_554 = arith.constant 0 : i32
      %dma_wait3A_555 = tpu.memref_slice %arg3[%dma_wait3A_553, %dma_wait3A_554] : memref<16x1000000xf32, #tpu.memory_space<hbm>> -> memref<16x128xf32, #tpu.memory_space<hbm>>
      %dma_wait3A_556 = arith.constant 0 : i32
      %dma_wait3A_557 = arith.constant 0 : i32
      %dma_wait3A_558 = tpu.memref_slice %arg7[%dma_wait3A_548, %dma_wait3A_556, %dma_wait3A_557] : memref<16x16x128xf32, #tpu.memory_space<vmem>> -> memref<1x16x128xf32, #tpu.memory_space<vmem>>
      %dma_wait3A_559 = tpu.memref_squeeze %dma_wait3A_558 : memref<1x16x128xf32, #tpu.memory_space<vmem>> -> memref<16x128xf32, #tpu.memory_space<vmem>>
      %dma_wait3A_560 = arith.constant 0 : i32
      %dma_wait3A_561 = arith.constant 0 : i32
      %dma_wait3A_562 = tpu.memref_slice %arg3[%dma_wait3A_560, %dma_wait3A_561] : memref<16x1000000xf32, #tpu.memory_space<hbm>> -> memref<16x128xf32, #tpu.memory_space<hbm>>
      tpu.wait_dma2 semaphore(%arg20 : memref<!tpu.dma_semaphore, #tpu.memory_space<semaphore_mem>>) src(%dma_wait3A_562 : memref<16x128xf32, #tpu.memory_space<hbm>>) dst(%dma_wait3A_559 : memref<16x128xf32, #tpu.memory_space<vmem>>)
      %and3A_563 = arith.constant 127 : i32
      %and3A_564 = arith.andi %squeeze3A_545, %and3A_563 : i32
      %broadcast_in_dim3A_565 = vector.broadcast %and3A_564 : i32 to vector<16xi32>
      %gather3A_566 = arith.constant 11 : i32
      %gather3A_567 = arith.constant 0 : i32
      %gather3A_568 = arith.constant 0 : i32
      %gather3A_569 = tpu.memref_slice %arg7[%gather3A_566, %gather3A_567, %gather3A_568] : memref<16x16x128xf32, #tpu.memory_space<vmem>> -> memref<1x16x128xf32, #tpu.memory_space<vmem>>
      %gather3A_570 = tpu.memref_squeeze %gather3A_569 : memref<1x16x128xf32, #tpu.memory_space<vmem>> -> memref<16x128xf32, #tpu.memory_space<vmem>>
      %gather3A_571 = tpu.vector_load_idx %gather3A_570[%iota3A, %broadcast_in_dim3A_565] : memref<16x128xf32, #tpu.memory_space<vmem>>[vector<16xi32>, vector<16xi32>], vector<16xf32>,
      %broadcast_in_dim3A_572 = vector.broadcast %add3A_547 : i32 to vector<16xi32>
      tpu.vector_store_idx %arg8[%iota3A, %broadcast_in_dim3A_572], %gather3A_571 : memref<16x512xf32, #tpu.memory_space<vmem>>[vector<16xi32>, vector<16xi32>], vector<16xf32>,
      %slice3A_573 = vector.extract_strided_slice %get3A_11 {offsets = [12], sizes = [1], strides = [1]} : vector<16xi32> to vector<1xi32>
      %squeeze3A_574 = vector.extract %slice3A_573[0] : i32 from vector<1xi32>
      %add3A_575 = arith.constant 12 : i32
      %add3A_576 = arith.addi %mul3A_10, %add3A_575 : i32
      %dma_wait3A_577 = arith.constant 12 : i32
      %dma_wait3A_578 = arith.constant 0 : i32
      %dma_wait3A_579 = arith.constant 0 : i32
      %dma_wait3A_580 = tpu.memref_slice %arg7[%dma_wait3A_577, %dma_wait3A_578, %dma_wait3A_579] : memref<16x16x128xf32, #tpu.memory_space<vmem>> -> memref<1x16x128xf32, #tpu.memory_space<vmem>>
      %dma_wait3A_581 = tpu.memref_squeeze %dma_wait3A_580 : memref<1x16x128xf32, #tpu.memory_space<vmem>> -> memref<16x128xf32, #tpu.memory_space<vmem>>
      %dma_wait3A_582 = arith.constant 0 : i32
      %dma_wait3A_583 = arith.constant 0 : i32
      %dma_wait3A_584 = tpu.memref_slice %arg3[%dma_wait3A_582, %dma_wait3A_583] : memref<16x1000000xf32, #tpu.memory_space<hbm>> -> memref<16x128xf32, #tpu.memory_space<hbm>>
      %dma_wait3A_585 = arith.constant 0 : i32
      %dma_wait3A_586 = arith.constant 0 : i32
      %dma_wait3A_587 = tpu.memref_slice %arg7[%dma_wait3A_577, %dma_wait3A_585, %dma_wait3A_586] : memref<16x16x128xf32, #tpu.memory_space<vmem>> -> memref<1x16x128xf32, #tpu.memory_space<vmem>>
      %dma_wait3A_588 = tpu.memref_squeeze %dma_wait3A_587 : memref<1x16x128xf32, #tpu.memory_space<vmem>> -> memref<16x128xf32, #tpu.memory_space<vmem>>
      %dma_wait3A_589 = arith.constant 0 : i32
      %dma_wait3A_590 = arith.constant 0 : i32
      %dma_wait3A_591 = tpu.memref_slice %arg3[%dma_wait3A_589, %dma_wait3A_590] : memref<16x1000000xf32, #tpu.memory_space<hbm>> -> memref<16x128xf32, #tpu.memory_space<hbm>>
      tpu.wait_dma2 semaphore(%arg21 : memref<!tpu.dma_semaphore, #tpu.memory_space<semaphore_mem>>) src(%dma_wait3A_591 : memref<16x128xf32, #tpu.memory_space<hbm>>) dst(%dma_wait3A_588 : memref<16x128xf32, #tpu.memory_space<vmem>>)
      %and3A_592 = arith.constant 127 : i32
      %and3A_593 = arith.andi %squeeze3A_574, %and3A_592 : i32
      %broadcast_in_dim3A_594 = vector.broadcast %and3A_593 : i32 to vector<16xi32>
      %gather3A_595 = arith.constant 12 : i32
      %gather3A_596 = arith.constant 0 : i32
      %gather3A_597 = arith.constant 0 : i32
      %gather3A_598 = tpu.memref_slice %arg7[%gather3A_595, %gather3A_596, %gather3A_597] : memref<16x16x128xf32, #tpu.memory_space<vmem>> -> memref<1x16x128xf32, #tpu.memory_space<vmem>>
      %gather3A_599 = tpu.memref_squeeze %gather3A_598 : memref<1x16x128xf32, #tpu.memory_space<vmem>> -> memref<16x128xf32, #tpu.memory_space<vmem>>
      %gather3A_600 = tpu.vector_load_idx %gather3A_599[%iota3A, %broadcast_in_dim3A_594] : memref<16x128xf32, #tpu.memory_space<vmem>>[vector<16xi32>, vector<16xi32>], vector<16xf32>,
      %broadcast_in_dim3A_601 = vector.broadcast %add3A_576 : i32 to vector<16xi32>
      tpu.vector_store_idx %arg8[%iota3A, %broadcast_in_dim3A_601], %gather3A_600 : memref<16x512xf32, #tpu.memory_space<vmem>>[vector<16xi32>, vector<16xi32>], vector<16xf32>,
      %slice3A_602 = vector.extract_strided_slice %get3A_11 {offsets = [13], sizes = [1], strides = [1]} : vector<16xi32> to vector<1xi32>
      %squeeze3A_603 = vector.extract %slice3A_602[0] : i32 from vector<1xi32>
      %add3A_604 = arith.constant 13 : i32
      %add3A_605 = arith.addi %mul3A_10, %add3A_604 : i32
      %dma_wait3A_606 = arith.constant 13 : i32
      %dma_wait3A_607 = arith.constant 0 : i32
      %dma_wait3A_608 = arith.constant 0 : i32
      %dma_wait3A_609 = tpu.memref_slice %arg7[%dma_wait3A_606, %dma_wait3A_607, %dma_wait3A_608] : memref<16x16x128xf32, #tpu.memory_space<vmem>> -> memref<1x16x128xf32, #tpu.memory_space<vmem>>
      %dma_wait3A_610 = tpu.memref_squeeze %dma_wait3A_609 : memref<1x16x128xf32, #tpu.memory_space<vmem>> -> memref<16x128xf32, #tpu.memory_space<vmem>>
      %dma_wait3A_611 = arith.constant 0 : i32
      %dma_wait3A_612 = arith.constant 0 : i32
      %dma_wait3A_613 = tpu.memref_slice %arg3[%dma_wait3A_611, %dma_wait3A_612] : memref<16x1000000xf32, #tpu.memory_space<hbm>> -> memref<16x128xf32, #tpu.memory_space<hbm>>
      %dma_wait3A_614 = arith.constant 0 : i32
      %dma_wait3A_615 = arith.constant 0 : i32
      %dma_wait3A_616 = tpu.memref_slice %arg7[%dma_wait3A_606, %dma_wait3A_614, %dma_wait3A_615] : memref<16x16x128xf32, #tpu.memory_space<vmem>> -> memref<1x16x128xf32, #tpu.memory_space<vmem>>
      %dma_wait3A_617 = tpu.memref_squeeze %dma_wait3A_616 : memref<1x16x128xf32, #tpu.memory_space<vmem>> -> memref<16x128xf32, #tpu.memory_space<vmem>>
      %dma_wait3A_618 = arith.constant 0 : i32
      %dma_wait3A_619 = arith.constant 0 : i32
      %dma_wait3A_620 = tpu.memref_slice %arg3[%dma_wait3A_618, %dma_wait3A_619] : memref<16x1000000xf32, #tpu.memory_space<hbm>> -> memref<16x128xf32, #tpu.memory_space<hbm>>
      tpu.wait_dma2 semaphore(%arg22 : memref<!tpu.dma_semaphore, #tpu.memory_space<semaphore_mem>>) src(%dma_wait3A_620 : memref<16x128xf32, #tpu.memory_space<hbm>>) dst(%dma_wait3A_617 : memref<16x128xf32, #tpu.memory_space<vmem>>)
      %and3A_621 = arith.constant 127 : i32
      %and3A_622 = arith.andi %squeeze3A_603, %and3A_621 : i32
      %broadcast_in_dim3A_623 = vector.broadcast %and3A_622 : i32 to vector<16xi32>
      %gather3A_624 = arith.constant 13 : i32
      %gather3A_625 = arith.constant 0 : i32
      %gather3A_626 = arith.constant 0 : i32
      %gather3A_627 = tpu.memref_slice %arg7[%gather3A_624, %gather3A_625, %gather3A_626] : memref<16x16x128xf32, #tpu.memory_space<vmem>> -> memref<1x16x128xf32, #tpu.memory_space<vmem>>
      %gather3A_628 = tpu.memref_squeeze %gather3A_627 : memref<1x16x128xf32, #tpu.memory_space<vmem>> -> memref<16x128xf32, #tpu.memory_space<vmem>>
      %gather3A_629 = tpu.vector_load_idx %gather3A_628[%iota3A, %broadcast_in_dim3A_623] : memref<16x128xf32, #tpu.memory_space<vmem>>[vector<16xi32>, vector<16xi32>], vector<16xf32>,
      %broadcast_in_dim3A_630 = vector.broadcast %add3A_605 : i32 to vector<16xi32>
      tpu.vector_store_idx %arg8[%iota3A, %broadcast_in_dim3A_630], %gather3A_629 : memref<16x512xf32, #tpu.memory_space<vmem>>[vector<16xi32>, vector<16xi32>], vector<16xf32>,
      %slice3A_631 = vector.extract_strided_slice %get3A_11 {offsets = [14], sizes = [1], strides = [1]} : vector<16xi32> to vector<1xi32>
      %squeeze3A_632 = vector.extract %slice3A_631[0] : i32 from vector<1xi32>
      %add3A_633 = arith.constant 14 : i32
      %add3A_634 = arith.addi %mul3A_10, %add3A_633 : i32
      %dma_wait3A_635 = arith.constant 14 : i32
      %dma_wait3A_636 = arith.constant 0 : i32
      %dma_wait3A_637 = arith.constant 0 : i32
      %dma_wait3A_638 = tpu.memref_slice %arg7[%dma_wait3A_635, %dma_wait3A_636, %dma_wait3A_637] : memref<16x16x128xf32, #tpu.memory_space<vmem>> -> memref<1x16x128xf32, #tpu.memory_space<vmem>>
      %dma_wait3A_639 = tpu.memref_squeeze %dma_wait3A_638 : memref<1x16x128xf32, #tpu.memory_space<vmem>> -> memref<16x128xf32, #tpu.memory_space<vmem>>
      %dma_wait3A_640 = arith.constant 0 : i32
      %dma_wait3A_641 = arith.constant 0 : i32
      %dma_wait3A_642 = tpu.memref_slice %arg3[%dma_wait3A_640, %dma_wait3A_641] : memref<16x1000000xf32, #tpu.memory_space<hbm>> -> memref<16x128xf32, #tpu.memory_space<hbm>>
      %dma_wait3A_643 = arith.constant 0 : i32
      %dma_wait3A_644 = arith.constant 0 : i32
      %dma_wait3A_645 = tpu.memref_slice %arg7[%dma_wait3A_635, %dma_wait3A_643, %dma_wait3A_644] : memref<16x16x128xf32, #tpu.memory_space<vmem>> -> memref<1x16x128xf32, #tpu.memory_space<vmem>>
      %dma_wait3A_646 = tpu.memref_squeeze %dma_wait3A_645 : memref<1x16x128xf32, #tpu.memory_space<vmem>> -> memref<16x128xf32, #tpu.memory_space<vmem>>
      %dma_wait3A_647 = arith.constant 0 : i32
      %dma_wait3A_648 = arith.constant 0 : i32
      %dma_wait3A_649 = tpu.memref_slice %arg3[%dma_wait3A_647, %dma_wait3A_648] : memref<16x1000000xf32, #tpu.memory_space<hbm>> -> memref<16x128xf32, #tpu.memory_space<hbm>>
      tpu.wait_dma2 semaphore(%arg23 : memref<!tpu.dma_semaphore, #tpu.memory_space<semaphore_mem>>) src(%dma_wait3A_649 : memref<16x128xf32, #tpu.memory_space<hbm>>) dst(%dma_wait3A_646 : memref<16x128xf32, #tpu.memory_space<vmem>>)
      %and3A_650 = arith.constant 127 : i32
      %and3A_651 = arith.andi %squeeze3A_632, %and3A_650 : i32
      %broadcast_in_dim3A_652 = vector.broadcast %and3A_651 : i32 to vector<16xi32>
      %gather3A_653 = arith.constant 14 : i32
      %gather3A_654 = arith.constant 0 : i32
      %gather3A_655 = arith.constant 0 : i32
      %gather3A_656 = tpu.memref_slice %arg7[%gather3A_653, %gather3A_654, %gather3A_655] : memref<16x16x128xf32, #tpu.memory_space<vmem>> -> memref<1x16x128xf32, #tpu.memory_space<vmem>>
      %gather3A_657 = tpu.memref_squeeze %gather3A_656 : memref<1x16x128xf32, #tpu.memory_space<vmem>> -> memref<16x128xf32, #tpu.memory_space<vmem>>
      %gather3A_658 = tpu.vector_load_idx %gather3A_657[%iota3A, %broadcast_in_dim3A_652] : memref<16x128xf32, #tpu.memory_space<vmem>>[vector<16xi32>, vector<16xi32>], vector<16xf32>,
      %broadcast_in_dim3A_659 = vector.broadcast %add3A_634 : i32 to vector<16xi32>
      tpu.vector_store_idx %arg8[%iota3A, %broadcast_in_dim3A_659], %gather3A_658 : memref<16x512xf32, #tpu.memory_space<vmem>>[vector<16xi32>, vector<16xi32>], vector<16xf32>,
      %slice3A_660 = vector.extract_strided_slice %get3A_11 {offsets = [15], sizes = [1], strides = [1]} : vector<16xi32> to vector<1xi32>
      %squeeze3A_661 = vector.extract %slice3A_660[0] : i32 from vector<1xi32>
      %add3A_662 = arith.constant 15 : i32
      %add3A_663 = arith.addi %mul3A_10, %add3A_662 : i32
      %dma_wait3A_664 = arith.constant 15 : i32
      %dma_wait3A_665 = arith.constant 0 : i32
      %dma_wait3A_666 = arith.constant 0 : i32
      %dma_wait3A_667 = tpu.memref_slice %arg7[%dma_wait3A_664, %dma_wait3A_665, %dma_wait3A_666] : memref<16x16x128xf32, #tpu.memory_space<vmem>> -> memref<1x16x128xf32, #tpu.memory_space<vmem>>
      %dma_wait3A_668 = tpu.memref_squeeze %dma_wait3A_667 : memref<1x16x128xf32, #tpu.memory_space<vmem>> -> memref<16x128xf32, #tpu.memory_space<vmem>>
      %dma_wait3A_669 = arith.constant 0 : i32
      %dma_wait3A_670 = arith.constant 0 : i32
      %dma_wait3A_671 = tpu.memref_slice %arg3[%dma_wait3A_669, %dma_wait3A_670] : memref<16x1000000xf32, #tpu.memory_space<hbm>> -> memref<16x128xf32, #tpu.memory_space<hbm>>
      %dma_wait3A_672 = arith.constant 0 : i32
      %dma_wait3A_673 = arith.constant 0 : i32
      %dma_wait3A_674 = tpu.memref_slice %arg7[%dma_wait3A_664, %dma_wait3A_672, %dma_wait3A_673] : memref<16x16x128xf32, #tpu.memory_space<vmem>> -> memref<1x16x128xf32, #tpu.memory_space<vmem>>
      %dma_wait3A_675 = tpu.memref_squeeze %dma_wait3A_674 : memref<1x16x128xf32, #tpu.memory_space<vmem>> -> memref<16x128xf32, #tpu.memory_space<vmem>>
      %dma_wait3A_676 = arith.constant 0 : i32
      %dma_wait3A_677 = arith.constant 0 : i32
      %dma_wait3A_678 = tpu.memref_slice %arg3[%dma_wait3A_676, %dma_wait3A_677] : memref<16x1000000xf32, #tpu.memory_space<hbm>> -> memref<16x128xf32, #tpu.memory_space<hbm>>
      tpu.wait_dma2 semaphore(%arg24 : memref<!tpu.dma_semaphore, #tpu.memory_space<semaphore_mem>>) src(%dma_wait3A_678 : memref<16x128xf32, #tpu.memory_space<hbm>>) dst(%dma_wait3A_675 : memref<16x128xf32, #tpu.memory_space<vmem>>)
      %and3A_679 = arith.constant 127 : i32
      %and3A_680 = arith.andi %squeeze3A_661, %and3A_679 : i32
      %broadcast_in_dim3A_681 = vector.broadcast %and3A_680 : i32 to vector<16xi32>
      %gather3A_682 = arith.constant 15 : i32
      %gather3A_683 = arith.constant 0 : i32
      %gather3A_684 = arith.constant 0 : i32
      %gather3A_685 = tpu.memref_slice %arg7[%gather3A_682, %gather3A_683, %gather3A_684] : memref<16x16x128xf32, #tpu.memory_space<vmem>> -> memref<1x16x128xf32, #tpu.memory_space<vmem>>
      %gather3A_686 = tpu.memref_squeeze %gather3A_685 : memref<1x16x128xf32, #tpu.memory_space<vmem>> -> memref<16x128xf32, #tpu.memory_space<vmem>>
      %gather3A_687 = tpu.vector_load_idx %gather3A_686[%iota3A, %broadcast_in_dim3A_681] : memref<16x128xf32, #tpu.memory_space<vmem>>[vector<16xi32>, vector<16xi32>], vector<16xf32>,
      %broadcast_in_dim3A_688 = vector.broadcast %add3A_663 : i32 to vector<16xi32>
      tpu.vector_store_idx %arg8[%iota3A, %broadcast_in_dim3A_688], %gather3A_687 : memref<16x512xf32, #tpu.memory_space<vmem>>[vector<16xi32>, vector<16xi32>], vector<16xf32>,
    }
    %scan3A_5 = arith.constant 32 : i32
    %mul3A_6 = arith.constant 512 : i32
    %mul3A_7 = arith.muli %add3A, %mul3A_6 : i32
    %multiple_of3A = tpu.assume_multiple %mul3A_7, 128 : i32
    "tpu.region"() ({
      %run_scoped3A = tpu.sem_alloc : memref<!tpu.dma_semaphore, #tpu.memory_space<semaphore_mem>>
      %dma_start3A = arith.constant 0 : i32
      %dma_start3A_8 = tpu.memref_slice %arg5[%dma_start3A, %multiple_of3A] : memref<16x16384xf32, #tpu.memory_space<hbm>> -> memref<16x512xf32, #tpu.memory_space<hbm>>
      %dma_start3A_9 = arith.constant 0 : i32
      %dma_start3A_10 = tpu.memref_slice %arg5[%dma_start3A_9, %multiple_of3A] : memref<16x16384xf32, #tpu.memory_space<hbm>> -> memref<16x512xf32, #tpu.memory_space<hbm>>
      tpu.enqueue_dma source(%arg8 : memref<16x512xf32, #tpu.memory_space<vmem>>) target(%dma_start3A_10 : memref<16x512xf32, #tpu.memory_space<hbm>>) target_semaphore(%run_scoped3A : memref<!tpu.dma_semaphore, #tpu.memory_space<semaphore_mem>>)
      %dma_wait3A = arith.constant 0 : i32
      %dma_wait3A_11 = tpu.memref_slice %arg5[%dma_wait3A, %multiple_of3A] : memref<16x16384xf32, #tpu.memory_space<hbm>> -> memref<16x512xf32, #tpu.memory_space<hbm>>
      %dma_wait3A_12 = arith.constant 0 : i32
      %dma_wait3A_13 = tpu.memref_slice %arg5[%dma_wait3A_12, %multiple_of3A] : memref<16x16384xf32, #tpu.memory_space<hbm>> -> memref<16x512xf32, #tpu.memory_space<hbm>>
      tpu.wait_dma2 semaphore(%run_scoped3A : memref<!tpu.dma_semaphore, #tpu.memory_space<semaphore_mem>>) src(%arg8 : memref<16x512xf32, #tpu.memory_space<vmem>>) dst(%dma_wait3A_13 : memref<16x512xf32, #tpu.memory_space<hbm>>)
      tpu.yield
    }) : () -> ()
    return
  }
}

</mosaic_0001>

<sc_bundles>
// kernel: kernel.3.cloned.1.call-start
scs
__scs_entry_jumppad:
0x0: {  	(pc) =	sbr.rel $0x88, $3  }
0x1: {  	(tag) =	ssettag $0x0;
	lr =	simm.s32 $0x1  }
0x2: {  	[smem:$0x3F9F] =	sst lr;
	_ =	strace $0xD0000000  }
0x3: {  	_ = 	snop  }
0x4: {  	_ = 	snop  }
0x5: {  	_ = 	snop  }
0x6: {  	_ = 	snop  }
0x7: {  	_ = 	snop  }
__scs_overlays_trampoline_lowered:
0x8: {  	[smem:$0x3FAE] =	sst s0  }
0x9: {  	[smem:$0x3FAF] =	sst s1  }
0xa: {  	[smem:$0x3FB0] =	sst s2  }
0xb: {  	[smem:$0x3FB1] =	sst s3  }
0xc: {  	[smem:$0x3FB2] =	sst s4  }
0xd: {  	[smem:$0x3FB3] =	sst s5  }
0xe: {  	[smem:$0x3FB4] =	sst s6  }
0xf: {  	[smem:$0x3FB5] =	sst s7  }
0x10: {  	[smem:$0x3FB6] =	sst s8  }
0x11: {  	[smem:$0x3FB7] =	sst s9;
	s0 =	simm.s32 @!p0 $0x0  }
0x12: {  	s1 =	sld [smem:$0x3F9D];
	s0 =	simm.s32 @p0 $0x1  }
0x13: {  	[smem:$0x3FB8] =	sst s0;
	s0 =	simm.s32 @!p1 $0x0  }
0x14: {  	s2 =	sld [smem:$0x3F9C];
	s0 =	simm.s32 @p1 $0x1  }
0x15: {  	[smem:$0x3FB9] =	sst s0;
	s0 =	simm.s32 @!p2 $0x0  }
0x16: {  	s3 =	sld [smem:$0x3FDB];
	s0 =	simm.s32 @p2 $0x1  }
0x17: {  	s4 =	simm.s32 $0x1BF5;
	[smem:$0x3FBB] =	sst s0  }
0x18: {  	s0 =	sld [smem:$0x3F9E];
	_ =	swait.ge [sflag:s4], $0x0  }
0x19: {  	s7 =	sld [smem:$0x3F9F]  }
0x1a: {  	s8 =	sadd.s32 $0xFFFFE003, lr  }
0x1b: {  	s9 =	sadd.s32 $0xFFFFFEF7, lr;
	s5 =	simm.s32 $0xFFFFFFFF;
	p2 =	slt.u32 s8, $0xFFFFF086  }
0x1c: {  	p1 =	slt.u32 s9, $0xF7A;
	s5 =	simm.s32 @!p2 $0x0  }
0x1d: {  	s5 =	simm.s32 @p1 $0x1;
	p0 =	seq.s32 s7, s2  }
0x1e: {  	s7 =	smul.u32 @!p0 $0xF7A, s2;
	p2 =	seq.s32 @!p0 s5, $0x0  }
0x1f: {  	s9 =	smul.u32 $0xF7A, s1;
	s8 =	simm.s32 @!p0 $0x1BF5;
	p2 =	por !p2, p0  }
0x20: {  	[sflag:s8] =	ssyncset.s32 @!p0 $0xFFFFF086;
	s6 =	sadd.s32 @!p0 s3, s7;
	s7 =	simm.s32 @!p0 $0x108  }
0x21: {  	s3 =	sadd.s32 s3, s9;
	s6 =	sadd.s32 @!p0 $0x88, s6;
	s7 =	simm.s32 @p2 $0x1082  }
0x22: {  	[simem:s7], [sflag:s8] =	dma.local @!p0 [hbm:s6], $0xF7A  }
0x23: {  	s9 =	sor.u32 $0xD0000000, s2;
	s6 =	simm.s32 $0x108;
	_ =	swait.ge @!p0 [sflag:s8], $0x0  }
0x24: {  	s3 =	sadd.s32 $0x88, s3;
	s6 =	simm.s32 @!p1 $0x1082;
	[sflag:s4] =	ssyncset.s32 $0xFFFFF086  }
0x25: {  	[simem:s6], [sflag:s4] =	dma.local [hbm:s3], $0xF7A  }
0x26: {  	[smem:$0x3F9F] =	sst s1;
	(tag) =	ssettag s2;
	_ =	strace s9  }
0x27: {  	s1 =	sld [smem:$0x3FAF]  }
0x28: {  	s2 =	sld [smem:$0x3FB0]  }
0x29: {  	s4 =	sld [smem:$0x3FB2]  }
0x2a: {  	p0 =	seq.s32 s5, $0x0;
	s5 =	sld [smem:$0x3FB3]  }
0x2b: {  	s6 =	sld [smem:$0x3FB4]  }
0x2c: {  	s7 =	sld [smem:$0x3FB5]  }
0x2d: {  	s3 =	simm.s32 $0x108;
	s8 =	sld [smem:$0x3FB6]  }
0x2e: {  	s3 =	simm.s32 @!p0 $0x1082;
	s9 =	sld [smem:$0x3FB7]  }
0x2f: {  	lr =	sadd.s32 s0, s3;
	s0 =	sld [smem:$0x3FAE]  }
0x30: {  	s3 =	sld [smem:$0x3FB1]  }
0x31: {  	[smem:$0x3FBA] =	sst s10  }
0x32: {  	s10 =	sld [smem:$0x3FB8];
	_ =	sdelay $0x3  }
0x33: {  	p0 =	seq.s32 s10, $0x1;
	s10 =	sld [smem:$0x3FBA];
	_ =	sdelay $0x3  }
0x34: {  	[smem:$0x3FBA] =	sst s10  }
0x35: {  	s10 =	sld [smem:$0x3FB9];
	_ =	sdelay $0x3  }
0x36: {  	p1 =	seq.s32 s10, $0x1;
	s10 =	sld [smem:$0x3FBA];
	_ =	sdelay $0x3  }
0x37: {  	[smem:$0x3FBA] =	sst s10  }
0x38: {  	s10 =	sld [smem:$0x3FBB]  }
0x39: {  	_ = 	snop;
	(pc) =	sbr.ind lr, $3  }
0x3a: {  	_ = 	snop  }
0x3b: {  	_ = 	snop  }
0x3c: {  	p2 =	seq.s32 s10, $0x1;
	s10 =	sld [smem:$0x3FBA]  }
0x3d: {  	_ =	shalt  }
0x3e: {  	_ =	shalt  }
0x3f: {  	_ =	shalt  }
0x40: {  	_ =	shalt  }
0x41: {  	_ =	shalt  }
0x42: {  	_ =	shalt  }
0x43: {  	_ =	shalt  }
0x44: {  	_ =	shalt  }
0x45: {  	_ =	shalt  }
0x46: {  	_ =	shalt  }
0x47: {  	_ =	shalt  }
0x48: {  	_ =	shalt  }
0x49: {  	_ =	shalt  }
0x4a: {  	_ =	shalt  }
0x4b: {  	_ =	shalt  }
0x4c: {  	_ =	shalt  }
0x4d: {  	_ =	shalt  }
0x4e: {  	_ =	shalt  }
0x4f: {  	_ =	shalt  }
0x50: {  	_ =	shalt  }
0x51: {  	_ =	shalt  }
0x52: {  	_ =	shalt  }
0x53: {  	_ =	shalt  }
0x54: {  	_ =	shalt  }
0x55: {  	_ =	shalt  }
0x56: {  	_ =	shalt  }
0x57: {  	_ =	shalt  }
0x58: {  	_ =	shalt  }
0x59: {  	_ =	shalt  }
0x5a: {  	_ =	shalt  }
0x5b: {  	_ =	shalt  }
0x5c: {  	_ =	shalt  }
0x5d: {  	_ =	shalt  }
0x5e: {  	_ =	shalt  }
0x5f: {  	_ =	shalt  }
0x60: {  	_ =	shalt  }
0x61: {  	_ =	shalt  }
0x62: {  	_ =	shalt  }
0x63: {  	_ =	shalt  }
0x64: {  	_ =	shalt  }
0x65: {  	_ =	shalt  }
0x66: {  	_ =	shalt  }
0x67: {  	_ =	shalt  }
0x68: {  	_ =	shalt  }
0x69: {  	_ =	shalt  }
0x6a: {  	_ =	shalt  }
0x6b: {  	_ =	shalt  }
0x6c: {  	_ =	shalt  }
0x6d: {  	_ =	shalt  }
0x6e: {  	_ =	shalt  }
0x6f: {  	_ =	shalt  }
0x70: {  	_ =	shalt  }
0x71: {  	_ =	shalt  }
0x72: {  	_ =	shalt  }
0x73: {  	_ =	shalt  }
0x74: {  	_ =	shalt  }
0x75: {  	_ =	shalt  }
0x76: {  	_ =	shalt  }
0x77: {  	_ =	shalt  }
0x78: {  	_ =	shalt  }
0x79: {  	_ =	shalt  }
0x7a: {  	_ =	shalt  }
0x7b: {  	_ =	shalt  }
0x7c: {  	_ =	shalt  }
0x7d: {  	_ =	shalt  }
0x7e: {  	_ =	shalt  }
0x7f: {  	_ =	shalt  }
0x80: {  	_ =	shalt  }
0x81: {  	_ =	shalt  }
0x82: {  	_ =	shalt  }
0x83: {  	_ =	shalt  }
0x84: {  	_ =	shalt  }
0x85: {  	_ =	shalt  }
0x86: {  	_ =	shalt  }
0x87: {  	_ =	shalt  }
.Lfunc_end0:
.L_simem_size_0:
called_computation_lowered:
.L_overlay_start_0:
0x88: {  	s2 =	sld [smem:$0x3FD9]  }
0x89: {  	s3 =	sld [smem:$0x3FFE];
	_ =	sdelay $0x1  }
0x8a: {  	s1 =	srdreg.scid  }
0x8b: {  	s0 =	sand.u32 $0x1, s1  }
0x8c: {  	s17 =	sshll.u32 s0, $0xA;
	s2 =	sadd.s32 s3, s2  }
0x8d: {  	s2 =	sadd.s32 s2, s17  }
0x8e: {  	[smem:$0x3FC6] =	sst s2  }
0x8f: {  	_ = 	snop  }
0x90: {  	s2 =	sld [smem:$0x3FC8]  }
0x91: {  	s18 =	sld [smem:$0x3FD0];
	(tm) =	ssettm $0x1  }
0x92: {  	s4 =	sld [smem:$0x3FFB];
	_ =	sdelay $0x3  }
0x93: {  	_ =	strace s4  }
0x94: {  	s4 =	sld [smem:$0x3FFC];
	_ =	sdelay $0x3  }
0x95: {  	_ =	strace s4  }
0x96: {  	s4 =	sld [smem:$0x3FFD];
	_ =	sdelay $0x3  }
0x97: {  	_ =	strace s4  }
0x98: {  	_ =	strace $0x8FFFFFFF  }
0x99: {  	s19 =	sld [smem:$0x3FDB];
	_ =	sdelay $0x1  }
0x9a: {  	s5 =	simm.s32 $_scs_section_size  }
0x9b: {  	s6 =	simm.s32 $_size__tile_overlayer_lowered;
	s7 =	simm.s32 $_tile_overlayer_lowered  }
0x9c: {  	s22 =	simm.s32 $0x1BFF;
	s21 =	sshll.u32 s7, $0x1;
	s4 =	sadd.s32 s5, s19  }
0x9d: {  	s8 =	simm.s32 $0x0;
	s20 =	sshll.u32 s6, $0x1;
	s6 =	sadd.s32 s21, s4  }
0x9e: {  	[timem:s8], [sflag:s22] =	dma.local [hbm:s6], s20  }
0x9f: {  	_ =	swait.ge [sflag:s22], s20  }
0xa0: {  	s5 =	ssub.s32 $0x0, s20;
	[sflag:s22] =	ssyncset.done $0x0  }
0xa1: {  	[sflag:s22] =	ssyncadd.s32 s5;
	_ =	sdelay $0x1  }
0xa2: {  	s23 =	simm.s32 $0x1B8B  }
0xa3: {  	_ =	swait.ge [sflag:s23], $0x1  }
0xa4: {  	[sflag:s23] =	ssyncset.done $0x0  }
0xa5: {  	s25 =	simm.s32 $0x1B8E;
	s24 =	sld [smem:$0x3FFE];
	[sflag:s23] =	ssyncadd.s32 $0xFFFFFFFF  }
0xa6: {  	s26 =	simm.s32 $execute0_lowered;
	[smem:$0x3FD2] =	sst s25  }
0xa7: {  	s6 =	sshll.u32 s26, $0x1;
	_ =	strace $0x80000046;
	[dreg:$0x1] =	wrdreg $0xFFFFFFFF  }
0xa8: {  	s28 =	simm.s32 $_size_execute0_lowered;
	s4 =	sadd.s32 s4, s6;
	[dreg:$0x0] =	wrdreg $0x0  }
0xa9: {  	s6 =	sshll.u32 s28, $0x1;
	[dreg:$0x2] =	wrdreg s4  }
0xaa: {  	[dreg:$0x3] =	wrdreg s6  }
0xab: {  	[dreg:$0x4] =	wrdreg $0xC0  }
0xac: {  	_ =	task [dreg:s8], $0x5FFFF  }
0xad: {  	[dreg:$0x1] =	wrdreg $0xFFFFFFFF  }
0xae: {  	[dreg:$0x0] =	wrdreg $0x60  }
0xaf: {  	[dreg:$0x2] =	wrdreg s24  }
0xb0: {  	[dreg:$0x3] =	wrdreg s2  }
0xb1: {  	[dreg:$0x4] =	wrdreg s18  }
0xb2: {  	[dreg:$0x5] =	wrdreg $0x9  }
0xb3: {  	_ =	task.clear_ibuf [dreg:s8], $0x6FFFF;
	_ =	strace $0x90000046  }
0xb4: {  	s29 =	simm.s32 $0x9;
	_ =	strace $0x80000048  }
0xb5: {  	_ =	swait.ge [sflag:s29], $0x1  }
0xb6: {  	[sflag:s29] =	ssyncadd.s32 $0xFFFFFFFF  }
0xb7: {  	_ =	strace $0x90000048  }
0xb8: {  	_ =	sfence  }
0xb9: {  	s30 =	sld [smem:$0x0];
	_ =	sdelay $0x2  }
0xba: {  	s31 =	sshll.u32 s1, $0xD;
	s1 =	sshrl.u32 s1, $0x2  }
0xbb: {  	s3 =	sand.u32 $0x4000, s31;
	s1 =	sadd.s32 s1, s30  }
0xbc: {  	s0 =	sor.u32 s3, s0;
	s1 =	sshll.u32 s1, $0x11  }
0xbd: {  	s0 =	sor.u32 s1, s0  }
0xbe: {  	s0 =	sadd.s32 $0x8F2B, s0  }
0xbf: {  	[sflag:s0] =	ssyncadd.remote.s32 $0x1  }
0xc0: {  	_ =	sfence.sel $0xFFFF  }
0xc1: {  	[dreg:$0x0] =	wrdreg $0xFFFFFFFF;
	(pc) =	sbr.abs _section_cstart, $3  }
0xc2: {  	[dreg:$0x1] =	wrdreg $0xFFFFFFFF  }
0xc3: {  	_ =	task.clear_ibuf [dreg:s8], $0x2FFFF;
	_ =	strace $0x9FFFFFFF  }
0xc4: {  	(tm) =	ssettm $0x7FFFFFFF  }
0xc5: {  	_ =	shalt  }
tec
execute0_lowered:
.L_overlay_start_1:
0x0: {  	(tag) =	ssettag $0x1  }
0x1: {  	s3 =	rddreg [dreg:$0x0]  }
0x2: {  	s2 =	rddreg [dreg:$0x1]  }
0x3: {  	s0 =	srdreg.scid;
	s6 =	rddreg [dreg:$0x2];
	s7 =	simm.s32 $0x0  }
0x4: {  	s1 =	stileid.u32;
	[smem:$0x7FF] =	sst s7;
	s7 =	simm.s32 $0xA00  }
0x5: {  	s8 =	simm.s32 $0x1200;
	_ =	strace $0x80000047;
	[dreg:$0x5] =	wrdreg s7  }
0x6: {  	s9 =	simm.s32 $0x1A00;
	s21 =	simm.s32 $0x1;
	[dreg:$0x6] =	wrdreg s8  }
0x7: {  	s10 =	simm.s32 $0x2200;
	s12 =	simm.s32 $0x8200;
	[dreg:$0x7] =	wrdreg s9  }
0x8: {  	s11 =	simm.s32 $0x2A00;
	s22 =	simm.s32 $0x2;
	[dreg:$0x8] =	wrdreg s10  }
0x9: {  	s13 =	simm.s32 $0x3200;
	s23 =	simm.s32 $0x3;
	[dreg:$0x9] =	wrdreg s11  }
0xa: {  	v0 =	vimm.s32 $0x1380;
	vm0 =	vcmask $0x300;
	s14 =	simm.s32 $0x3A00;
	s24 =	simm.s32 $0x4;
	[dreg:$0xa] =	wrdreg s13  }
0xb: {  	vm14 =	vcmask $0x704;
	s15 =	simm.s32 $0x4200;
	s25 =	simm.s32 $0x5;
	v0 =	vsel vm0, $0x0, v0;
	[dreg:$0xb] =	wrdreg s14  }
0xc: {  	vm15 =	vcmask $0xB08;
	s16 =	simm.s32 $0x4A00;
	s26 =	simm.s32 $0x6;
	v0 =	vsel vm14, $0x80, v0;
	[dreg:$0xc] =	wrdreg s15  }
0xd: {  	vm4 =	vcmask $0xF0C;
	s17 =	simm.s32 $0x5200;
	s28 =	simm.s32 $0x7;
	[dreg:$0xd] =	wrdreg s16;
	v0 =	vsel vm15, $0x100, v0  }
0xe: {  	vm5 =	vcmask $0x1310;
	s18 =	simm.s32 $0x5A00;
	s31 =	simm.s32 $0x8;
	[dreg:$0xe] =	wrdreg s17;
	v0 =	vsel vm4, $0x180, v0  }
0xf: {  	vm6 =	vcmask $0x1714;
	s19 =	simm.s32 $0x6200;
	s20 =	simm.s32 $0x6A00;
	[dreg:$0xf] =	wrdreg s18;
	v0 =	vsel vm5, $0x200, v0  }
0x10: {  	vm7 =	vcmask $0x1B18;
	s0 =	sand.u32 $0x1, s0;
	s1 =	sshll.u32 s1, $0x1;
	[dreg:$0x10] =	wrdreg s19;
	v0 =	vsel vm6, $0x280, v0  }
0x11: {  	vm8 =	vcmask $0x1F1C;
	s29 =	simm.s32 $0x7200;
	s1 =	sor.u32 s0, s1;
	[dreg:$0x11] =	wrdreg s20;
	v0 =	vsel vm7, $0x300, v0  }
0x12: {  	vm9 =	vcmask $0x2320;
	s0 =	ssub.s32 $0x2, s0;
	[dreg:$0x12] =	wrdreg s29;
	s5 =	sshll.u32 s1, $0x9;
	v0 =	vsel vm8, $0x380, v0  }
0x13: {  	vm10 =	vcmask $0x2724;
	s1 =	sshll.u32 s1, $0x7;
	s30 =	sshrl.u32 s0, $0x1;
	s4 =	sand.u32 $0x3000, s5;
	v0 =	vsel vm9, $0x1000, v0  }
0x14: {  	vm11 =	vcmask $0x2B28;
	s1 =	sand.u32 $0x380, s1;
	s0 =	ssub.s32 s0, s30;
	s5 =	sadd.s32 s6, s5;
	v0 =	vsel vm10, $0x1080, v0  }
0x15: {  	vm12 =	vcmask $0x2F2C;
	s6 =	simm.s32 $0x200;
	s1 =	sor.u32 s1, s4;
	[dreg:$0x15] =	wrdreg s5;
	v0 =	vsel vm11, $0x1100, v0  }
0x16: {  	vm13 =	vcmask $0x3330;
	s30 =	simm.s32 $0x7A00;
	[dreg:$0x4] =	wrdreg s6;
	s1 =	sshrl.u32 s1, $0x3;
	v0 =	vsel vm12, $0x1180, v0  }
0x17: {  	vm14 =	vcmask $0x3734;
	s0 =	smax.u32 s0, $0x1;
	[dreg:$0x13] =	wrdreg s30;
	s1 =	sadd.s32 s1, s3;
	v0 =	vsel vm13, $0x1200, v0  }
0x18: {  	v1 =	vlaneseq.u32;
	vm15 =	vcmask $0x3B38;
	s4 =	sadd.s32 $0xA00, s3;
	[dreg:$0x16] =	wrdreg s0;
	s1 =	sadd.s32 $0x200, s1;
	v2 =	vsel vm14, $0x1280, v0  }
0x19: {  	s6 =	simm.s32 $0x11;
	[dreg:$0x14] =	wrdreg s1;
	s1 =	simm.s32 $0x0;
	v0 =	vmul.u32 $0x80, v1;
	v1 =	vsel vm15, $0x1300, v2  }
.LBB2_1:
0x1a: {  	[dreg:$0x17] =	wrdreg s1;
	s0 =	simm.s32 $0x0  }
0x1b: {  	s15 =	rddreg [dreg:$0x14];
	s3 =	simm.s32 $0x80;
	s5 =	simm.s32 $0x400  }
0x1c: {  	[tilespmem:s0], [sflag:$0x11] =	stream.strided.gather [hbm4b:s15+s3], $0x200, s5, s3, $0x38;
	[tilespmem:$0xA200] =	vst v63  }
0x1d: {  	_ =	swait.ge [sflag:s6], $0x200  }
0x1e: {  	[sflag:s6] =	ssyncset.done $0x0  }
0x1f: {  	[sflag:s6] =	ssyncadd.s32 $0xFFFFFE00  }
0x20: {  	v2 =	vld [tilespmem:s0+$0x0];
	_ =	sdelay $0x4  }
0x21: {  	(v2sf) =	vpush v2, $0x0  }
0x22: {  	(v2sf) =	vpush v2, $0x1  }
0x23: {  	(v2sf) =	vpush v2, $0x2;
	_ =	sdelay $0x2  }
0x24: {  	(v2sf) =	vpush v2, $0x3;
	_ =	sdelay $0x9  }
0x25: {  	s30 =	spop (v2sf)  }
0x26: {  	s16 =	sand.u32 $0xFFFFFF80, s30;
	s29 =	spop (v2sf)  }
0x27: {  	p2 =	seq.s32 s16, $0xF4200;
	s17 =	sand.u32 $0xFFFFFF80, s29;
	s13 =	spop (v2sf)  }
0x28: {  	s1 =	simm.s32 @p2 $0x0;
	s3 =	simm.s32 @p2 $0x200;
	s0 =	sand.u32 @!p2 $0xFFFFF80, s30  }
0x29: {  	(v2sf) =	vpush v2, $0x4;
	p1 =	seq.s32 s17, $0xF4200;
	s5 =	simm.s32 @!p2 $0x7A1400;
	s7 =	simm.s32 @!p2 $0x400  }
0x2a: {  	(v2sf) =	vpush v2, $0x5;
	s9 =	simm.s32 @!p2 $0x200;
	s10 =	sand.u32 $0xFFFFFF80, s13;
	s14 =	spop (v2sf)  }
0x2b: {  	s6 =	sand.u32 @!p1 $0xFFFFF80, s29;
	s0 =	sadd.s32 @!p2 s2, s0;
	s8 =	simm.s32 @!p1 $0xA00  }
0x2c: {  	[tilespmem:s3], [sflag:$0x1] =	stream.linear.gather @p2 [hbm4b:s4+s1], $0x800, $0x38;
	[tilespmem:$0xA200] =	vst v63  }
0x2d: {  	(v2sf) =	vpush v2, $0x6;
	p0 =	seq.s32 s10, $0xF4200;
	s1 =	simm.s32 @p1 $0xA00;
	s18 =	sand.u32 $0xFFFFFF80, s14  }
0x2e: {  	[tilespmem:s9], [sflag:$0x1] =	stream.strided.gather @!p2 [hbm4b:s0+s7], $0x800, s5, s7, $0x38;
	[tilespmem:$0xA200] =	vst v63  }
0x2f: {  	s6 =	sadd.s32 @!p1 s2, s6;
	s3 =	sand.u32 @!p0 $0xFFFFF80, s13;
	s0 =	simm.s32 @p1 $0x0  }
0x30: {  	[tilespmem:s1], [sflag:$0x2] =	stream.linear.gather @p1 [hbm4b:s4+s0], $0x800, $0x38;
	[tilespmem:$0xA200] =	vst v63  }
0x31: {  	s5 =	simm.s32 @!p1 $0x7A1400;
	s0 =	sadd.s32 @!p0 s2, s3;
	s3 =	simm.s32 @!p1 $0x400  }
0x32: {  	(v2sf) =	vpush v2, $0x7;
	[tilespmem:s8], [sflag:$0x2] =	stream.strided.gather @!p1 [hbm4b:s6+s3], $0x800, s5, s3, $0x38;
	[tilespmem:$0xA200] =	vst v63  }
0x33: {  	s3 =	simm.s32 @!p0 $0x7A1400;
	s5 =	simm.s32 @p0 $0x0;
	p1 =	seq.s32 s18, $0xF4200  }
0x34: {  	s6 =	simm.s32 @p0 $0x1200;
	s1 =	simm.s32 @p1 $0x0;
	s7 =	simm.s32 @p1 $0x1A00  }
0x35: {  	[tilespmem:s6], [sflag:$0x3] =	stream.linear.gather @p0 [hbm4b:s4+s5], $0x800, $0x38;
	[tilespmem:$0xA200] =	vst v63  }
0x36: {  	s9 =	sand.u32 @!p1 $0xFFFFF80, s14;
	s5 =	simm.s32 @!p0 $0x1200;
	s6 =	simm.s32 @!p0 $0x400  }
0x37: {  	[tilespmem:s5], [sflag:$0x3] =	stream.strided.gather @!p0 [hbm4b:s0+s6], $0x800, s3, s6, $0x38;
	[tilespmem:$0xA200] =	vst v63  }
0x38: {  	s0 =	sadd.s32 @!p1 s2, s9;
	s3 =	simm.s32 @!p1 $0x400;
	s16 =	spop (v2sf)  }
0x39: {  	s5 =	simm.s32 @!p1 $0x7A1400;
	s19 =	sand.u32 $0xFFFFFF80, s16;
	s10 =	spop (v2sf)  }
0x3a: {  	[tilespmem:s7], [sflag:$0x4] =	stream.linear.gather @p1 [hbm4b:s4+s1], $0x800, $0x38;
	[tilespmem:$0xA200] =	vst v63  }
0x3b: {  	s1 =	simm.s32 @!p1 $0x1A00;
	p0 =	seq.s32 s19, $0xF4200;
	s20 =	sand.u32 $0xFFFFFF80, s10  }
0x3c: {  	s15 =	spop (v2sf);
	s7 =	simm.s32 @p0 $0x0;
	s9 =	sand.u32 @!p0 $0xFFFFF80, s16  }
0x3d: {  	[tilespmem:s1], [sflag:$0x4] =	stream.strided.gather @!p1 [hbm4b:s0+s3], $0x800, s5, s3, $0x38;
	[tilespmem:$0xA200] =	vst v63  }
0x3e: {  	(v2sf) =	vpush v2, $0x8;
	s8 =	simm.s32 @p0 $0x2200;
	s1 =	simm.s32 @!p0 $0x400;
	s3 =	simm.s32 @!p0 $0x7A1400  }
0x3f: {  	s5 =	simm.s32 @!p0 $0x2200;
	p1 =	seq.s32 s20, $0xF4200;
	s11 =	sand.u32 $0xFFFFFF80, s15  }
0x40: {  	[tilespmem:s8], [sflag:$0x5] =	stream.linear.gather @p0 [hbm4b:s4+s7], $0x800, $0x38;
	[tilespmem:$0xA200] =	vst v63  }
0x41: {  	(v2sf) =	vpush v2, $0x9;
	s0 =	sadd.s32 @!p0 s2, s9;
	s6 =	simm.s32 @p1 $0x0;
	s8 =	spop (v2sf)  }
0x42: {  	s9 =	sand.u32 @!p1 $0xFFFFF80, s10;
	s7 =	simm.s32 @p1 $0x2A00;
	s17 =	sand.u32 $0xFFFFFF80, s8  }
0x43: {  	[tilespmem:s5], [sflag:$0x5] =	stream.strided.gather @!p0 [hbm4b:s0+s1], $0x800, s3, s1, $0x38;
	[tilespmem:$0xA200] =	vst v63  }
0x44: {  	s1 =	sadd.s32 @!p1 s2, s9;
	s5 =	simm.s32 @!p1 $0x7A1400;
	p0 =	seq.s32 s11, $0xF4200  }
0x45: {  	[tilespmem:s7], [sflag:$0x6] =	stream.linear.gather @p1 [hbm4b:s4+s6], $0x800, $0x38;
	[tilespmem:$0xA200] =	vst v63  }
0x46: {  	s3 =	simm.s32 @!p1 $0x400;
	s0 =	simm.s32 @!p1 $0x2A00;
	s7 =	sand.u32 @!p0 $0xFFFFF80, s15  }
0x47: {  	(v2sf) =	vpush v2, $0xA;
	[tilespmem:s0], [sflag:$0x6] =	stream.strided.gather @!p1 [hbm4b:s1+s3], $0x800, s5, s3, $0x38;
	[tilespmem:$0xA200] =	vst v63  }
0x48: {  	(v2sf) =	vpush v2, $0xB;
	s0 =	simm.s32 @p0 $0x0;
	s1 =	simm.s32 @p0 $0x3200;
	p1 =	seq.s32 s17, $0xF4200  }
0x49: {  	s3 =	sadd.s32 @!p0 s2, s7;
	s5 =	simm.s32 @!p0 $0x3200;
	s17 =	sand.u32 @!p1 $0xFFFFF80, s8  }
0x4a: {  	[tilespmem:s1], [sflag:$0x7] =	stream.linear.gather @p0 [hbm4b:s4+s0], $0x800, $0x38;
	[tilespmem:$0xA200] =	vst v63  }
0x4b: {  	s6 =	simm.s32 @p1 $0x0;
	s0 =	simm.s32 @!p0 $0x400;
	s1 =	simm.s32 @!p0 $0x7A1400  }
0x4c: {  	[tilespmem:s5], [sflag:$0x7] =	stream.strided.gather @!p0 [hbm4b:s3+s0], $0x800, s1, s0, $0x38;
	[tilespmem:$0xA200] =	vst v63  }
0x4d: {  	s7 =	simm.s32 @p1 $0x3A00;
	s11 =	spop (v2sf);
	s0 =	sadd.s32 @!p1 s2, s17  }
0x4e: {  	s1 =	simm.s32 @!p1 $0x400;
	s3 =	simm.s32 @!p1 $0x7A1400;
	s18 =	sand.u32 $0xFFFFFF80, s11  }
0x4f: {  	[tilespmem:s7], [sflag:$0x8] =	stream.linear.gather @p1 [hbm4b:s4+s6], $0x800, $0x38;
	[tilespmem:$0xA200] =	vst v63  }
0x50: {  	s5 =	spop (v2sf);
	s6 =	simm.s32 @!p1 $0x3A00;
	p0 =	seq.s32 s18, $0xF4200  }
0x51: {  	s19 =	sand.u32 $0xFFFFFF80, s5;
	s9 =	simm.s32 @p0 $0x0;
	s17 =	sand.u32 @!p0 $0xFFFFF80, s11  }
0x52: {  	(v2sf) =	vpush v2, $0xC;
	[tilespmem:s6], [sflag:$0x8] =	stream.strided.gather @!p1 [hbm4b:s0+s1], $0x800, s3, s1, $0x38;
	[tilespmem:$0xA200] =	vst v63  }
0x53: {  	s0 =	simm.s32 @p0 $0x4200;
	s3 =	sadd.s32 @!p0 s2, s17;
	p1 =	seq.s32 s19, $0xF4200  }
0x54: {  	(v2sf) =	vpush v2, $0xD;
	s6 =	simm.s32 @!p0 $0x400;
	s17 =	simm.s32 @!p0 $0x4200;
	s7 =	simm.s32 @p1 $0x0  }
0x55: {  	[tilespmem:s0], [sflag:$0x9] =	stream.linear.gather @p0 [hbm4b:s4+s9], $0x800, $0x38;
	[tilespmem:$0xA200] =	vst v63  }
0x56: {  	s18 =	simm.s32 @p1 $0x4A00;
	s20 =	sand.u32 @!p1 $0xFFFFF80, s5;
	s9 =	spop (v2sf)  }
0x57: {  	s0 =	simm.s32 @!p0 $0x7A1400;
	s19 =	sand.u32 $0xFFFFFF80, s9;
	s1 =	spop (v2sf)  }
0x58: {  	[tilespmem:s17], [sflag:$0x9] =	stream.strided.gather @!p0 [hbm4b:s3+s6], $0x800, s0, s6, $0x38;
	[tilespmem:$0xA200] =	vst v63  }
0x59: {  	s0 =	sadd.s32 @!p1 s2, s20;
	s3 =	simm.s32 @!p1 $0x400;
	p0 =	seq.s32 s19, $0xF4200  }
0x5a: {  	s6 =	simm.s32 @!p1 $0x7A1400;
	s17 =	sand.u32 $0xFFFFFF80, s1;
	s19 =	simm.s32 @p0 $0x5200  }
0x5b: {  	[tilespmem:s18], [sflag:$0xA] =	stream.linear.gather @p1 [hbm4b:s4+s7], $0x800, $0x38;
	[tilespmem:$0xA200] =	vst v63  }
0x5c: {  	(v2sf) =	vpush v2, $0xE;
	s20 =	sand.u32 @!p0 $0xFFFFF80, s9;
	s7 =	simm.s32 @!p1 $0x4A00;
	s18 =	simm.s32 @p0 $0x0  }
0x5d: {  	[tilespmem:s7], [sflag:$0xA] =	stream.strided.gather @!p1 [hbm4b:s0+s3], $0x800, s6, s3, $0x38;
	[tilespmem:$0xA200] =	vst v63  }
0x5e: {  	s0 =	sadd.s32 @!p0 s2, s20;
	s3 =	simm.s32 @!p0 $0x400;
	p1 =	seq.s32 s17, $0xF4200  }
0x5f: {  	s7 =	simm.s32 @!p0 $0x7A1400;
	s17 =	simm.s32 @p1 $0x0;
	s20 =	sand.u32 @!p1 $0xFFFFF80, s1  }
0x60: {  	[tilespmem:s19], [sflag:$0xB] =	stream.linear.gather @p0 [hbm4b:s4+s18], $0x800, $0x38;
	[tilespmem:$0xA200] =	vst v63  }
0x61: {  	(v2sf) =	vpush v2, $0xF;
	s18 =	simm.s32 @!p0 $0x5200;
	s19 =	simm.s32 @p1 $0x5A00;
	s6 =	spop (v2sf)  }
0x62: {  	[tilespmem:s18], [sflag:$0xB] =	stream.strided.gather @!p0 [hbm4b:s0+s3], $0x800, s7, s3, $0x38;
	[tilespmem:$0xA200] =	vst v63  }
0x63: {  	s3 =	sand.u32 $0xFFFFFF80, s6;
	s0 =	spop (v2sf);
	s7 =	sadd.s32 @!p1 s2, s20  }
0x64: {  	s18 =	simm.s32 @!p1 $0x7A1400;
	p0 =	seq.s32 s3, $0xF4200;
	s3 =	simm.s32 @!p1 $0x5A00  }
0x65: {  	[tilespmem:s19], [sflag:$0xC] =	stream.linear.gather @p1 [hbm4b:s4+s17], $0x800, $0x38;
	[tilespmem:$0xA200] =	vst v63  }
0x66: {  	s17 =	simm.s32 @!p1 $0x400;
	s19 =	sand.u32 $0xFFFFFF80, s0;
	s20 =	sand.u32 @!p0 $0xFFFFF80, s6  }
0x67: {  	[tilespmem:s3], [sflag:$0xC] =	stream.strided.gather @!p1 [hbm4b:s7+s17], $0x800, s18, s17, $0x38;
	[tilespmem:$0xA200] =	vst v63  }
0x68: {  	s3 =	simm.s32 @p0 $0x0;
	s7 =	simm.s32 @p0 $0x6200;
	s17 =	sadd.s32 @!p0 s2, s20  }
0x69: {  	s18 =	simm.s32 @!p0 $0x7A1400;
	p1 =	seq.s32 s19, $0xF4200;
	s19 =	simm.s32 @!p0 $0x6200  }
0x6a: {  	[tilespmem:s7], [sflag:$0xD] =	stream.linear.gather @p0 [hbm4b:s4+s3], $0x800, $0x38;
	[tilespmem:$0xA200] =	vst v63  }
0x6b: {  	s20 =	simm.s32 @p1 $0x0;
	s7 =	simm.s32 @!p0 $0x400;
	s3 =	spop (v2sf)  }
0x6c: {  	[tilespmem:s19], [sflag:$0xD] =	stream.strided.gather @!p0 [hbm4b:s17+s7], $0x800, s18, s7, $0x38;
	[tilespmem:$0xA200] =	vst v63  }
0x6d: {  	s7 =	simm.s32 @p1 $0x6A00;
	s17 =	sand.u32 $0xFFFFFF80, s3;
	s18 =	sand.u32 @!p1 $0xFFFFF80, s0  }
0x6e: {  	s19 =	simm.s32 @!p1 $0x400;
	s18 =	sadd.s32 @!p1 s2, s18;
	p0 =	seq.s32 s17, $0xF4200  }
0x6f: {  	[tilespmem:s7], [sflag:$0xE] =	stream.linear.gather @p1 [hbm4b:s4+s20], $0x800, $0x38;
	[tilespmem:$0xA200] =	vst v63  }
0x70: {  	s17 =	simm.s32 @!p1 $0x6A00;
	s7 =	spop (v2sf);
	s20 =	simm.s32 @!p1 $0x7A1400  }
0x71: {  	[tilespmem:s17], [sflag:$0xE] =	stream.strided.gather @!p1 [hbm4b:s18+s19], $0x800, s20, s19, $0x38;
	[tilespmem:$0xA200] =	vst v63  }
0x72: {  	s17 =	simm.s32 @p0 $0x0;
	s18 =	simm.s32 @p0 $0x7200;
	s19 =	sand.u32 @!p0 $0xFFFFF80, s3  }
0x73: {  	[tilespmem:s18], [sflag:$0xF] =	stream.linear.gather @p0 [hbm4b:s4+s17], $0x800, $0x38;
	[tilespmem:$0xA200] =	vst v63  }
0x74: {  	s20 =	simm.s32 @!p0 $0x7A1400;
	s17 =	sand.u32 $0xFFFFFF80, s7;
	s18 =	sadd.s32 @!p0 s2, s19  }
0x75: {  	s19 =	simm.s32 @!p0 $0x400;
	p1 =	seq.s32 s17, $0xF4200;
	s17 =	simm.s32 @!p0 $0x7200  }
0x76: {  	[tilespmem:s17], [sflag:$0xF] =	stream.strided.gather @!p0 [hbm4b:s18+s19], $0x800, s20, s19, $0x38;
	[tilespmem:$0xA200] =	vst v63  }
0x77: {  	s17 =	sand.u32 @!p1 $0xFFFFF80, s7  }
0x78: {  	s18 =	simm.s32 @p1 $0x0;
	s19 =	simm.s32 @p1 $0x7A00;
	s20 =	simm.s32 @!p1 $0x7A00  }
0x79: {  	[tilespmem:s19], [sflag:$0x10] =	stream.linear.gather @p1 [hbm4b:s4+s18], $0x800, $0x38;
	[tilespmem:$0xA200] =	vst v63  }
0x7a: {  	s17 =	sadd.s32 @!p1 s2, s17;
	s18 =	simm.s32 @!p1 $0x400;
	s19 =	simm.s32 @!p1 $0x7A1400  }
0x7b: {  	[tilespmem:s20], [sflag:$0x10] =	stream.strided.gather @!p1 [hbm4b:s17+s18], $0x800, s19, s18, $0x38;
	[tilespmem:$0xA200] =	vst v63  }
0x7c: {  	s20 =	sand.u32 $0x7F, s30  }
0x7d: {  	s30 =	simm.s32 $0x0;
	v2 =	vor.u32 s20, v0  }
0x7e: {  	v3 =	vmov s30  }
0x7f: {  	_ =	swait.ge [sflag:s21], $0x800;
	v4 =	vshll.u32 v3, $0x3  }
0x80: {  	[sflag:s21] =	ssyncset.done $0x0;
	v3 =	vand.u32 $0x70, v3;
	v4 =	vand.u32 $0xC00, v4  }
0x81: {  	s18 =	rddreg [dreg:$0x4];
	[sflag:s21] =	ssyncadd.s32 $0xFFFFF800;
	v3 =	vor.u32 v4, v3  }
0x82: {  	v3 =	vor.u32 v1, v3;
	v2 =	vld.idx.msk [tilespmem:v2+s18+$0x0], $0xffff;
	_ =	sdelay $0x2  }
0x83: {  	s19 =	sand.u32 $0x7F, s29  }
0x84: {  	s20 =	simm.s32 $0x1;
	v4 =	vor.u32 s19, v0  }
0x85: {  	[tilespmem:v3+s12+$0x0] =	vst.idx.msk $0xffff, v2;
	v2 =	vmov s20  }
0x86: {  	_ =	swait.ge [sflag:s22], $0x800;
	v3 =	vshll.u32 v2, $0x3  }
0x87: {  	v2 =	vand.u32 $0x71, v2;
	[sflag:s22] =	ssyncset.done $0x0;
	v3 =	vand.u32 $0xC00, v3  }
0x88: {  	s21 =	rddreg [dreg:$0x5];
	[sflag:s22] =	ssyncadd.s32 $0xFFFFF800;
	v2 =	vor.u32 v3, v2  }
0x89: {  	v3 =	vld.idx.msk [tilespmem:v4+s21+$0x0], $0xffff;
	v2 =	vor.u32 v1, v2;
	_ =	sdelay $0x2  }
0x8a: {  	s13 =	sand.u32 $0x7F, s13  }
0x8b: {  	s29 =	simm.s32 $0x2;
	v4 =	vor.u32 s13, v0  }
0x8c: {  	[tilespmem:v2+s12+$0x0] =	vst.idx.msk $0xffff, v3;
	v2 =	vmov s29  }
0x8d: {  	_ =	swait.ge [sflag:s23], $0x800;
	v3 =	vshll.u32 v2, $0x3  }
0x8e: {  	v2 =	vand.u32 $0x72, v2;
	[sflag:s23] =	ssyncset.done $0x0;
	v3 =	vand.u32 $0xC00, v3  }
0x8f: {  	s30 =	rddreg [dreg:$0x6];
	[sflag:s23] =	ssyncadd.s32 $0xFFFFF800;
	v2 =	vor.u32 v3, v2  }
0x90: {  	v3 =	vld.idx.msk [tilespmem:v4+s30+$0x0], $0xffff;
	v2 =	vor.u32 v1, v2;
	_ =	sdelay $0x2  }
0x91: {  	s14 =	sand.u32 $0x7F, s14  }
0x92: {  	s17 =	simm.s32 $0x3;
	v4 =	vor.u32 s14, v0  }
0x93: {  	[tilespmem:v2+s12+$0x0] =	vst.idx.msk $0xffff, v3;
	v2 =	vmov s17  }
0x94: {  	_ =	swait.ge [sflag:s24], $0x800;
	v3 =	vshll.u32 v2, $0x3  }
0x95: {  	v2 =	vand.u32 $0x73, v2;
	[sflag:s24] =	ssyncset.done $0x0;
	v3 =	vand.u32 $0xC00, v3  }
0x96: {  	s18 =	rddreg [dreg:$0x7];
	[sflag:s24] =	ssyncadd.s32 $0xFFFFF800;
	v2 =	vor.u32 v3, v2  }
0x97: {  	v3 =	vld.idx.msk [tilespmem:v4+s18+$0x0], $0xffff;
	v2 =	vor.u32 v1, v2;
	_ =	sdelay $0x2  }
0x98: {  	s19 =	sand.u32 $0x7F, s16  }
0x99: {  	s20 =	simm.s32 $0x4;
	v4 =	vor.u32 s19, v0  }
0x9a: {  	[tilespmem:v2+s12+$0x0] =	vst.idx.msk $0xffff, v3;
	v2 =	vmov s20  }
0x9b: {  	_ =	swait.ge [sflag:s25], $0x800;
	v3 =	vshll.u32 v2, $0x3  }
0x9c: {  	v2 =	vand.u32 $0x74, v2;
	[sflag:s25] =	ssyncset.done $0x0;
	v3 =	vand.u32 $0xC00, v3  }
0x9d: {  	s21 =	rddreg [dreg:$0x8];
	[sflag:s25] =	ssyncadd.s32 $0xFFFFF800;
	v2 =	vor.u32 v3, v2  }
0x9e: {  	v3 =	vld.idx.msk [tilespmem:v4+s21+$0x0], $0xffff;
	v2 =	vor.u32 v1, v2;
	_ =	sdelay $0x2  }
0x9f: {  	s10 =	sand.u32 $0x7F, s10  }
0xa0: {  	s22 =	simm.s32 $0x5;
	v4 =	vor.u32 s10, v0  }
0xa1: {  	[tilespmem:v2+s12+$0x0] =	vst.idx.msk $0xffff, v3;
	v2 =	vmov s22  }
0xa2: {  	_ =	swait.ge [sflag:s26], $0x800;
	v3 =	vshll.u32 v2, $0x3  }
0xa3: {  	v2 =	vand.u32 $0x75, v2;
	[sflag:s26] =	ssyncset.done $0x0;
	v3 =	vand.u32 $0xC00, v3  }
0xa4: {  	s23 =	rddreg [dreg:$0x9];
	[sflag:s26] =	ssyncadd.s32 $0xFFFFF800;
	v2 =	vor.u32 v3, v2  }
0xa5: {  	v3 =	vld.idx.msk [tilespmem:v4+s23+$0x0], $0xffff;
	v2 =	vor.u32 v1, v2;
	_ =	sdelay $0x2  }
0xa6: {  	s24 =	sand.u32 $0x7F, s15  }
0xa7: {  	s25 =	simm.s32 $0x6;
	v4 =	vor.u32 s24, v0  }
0xa8: {  	[tilespmem:v2+s12+$0x0] =	vst.idx.msk $0xffff, v3;
	v2 =	vmov s25  }
0xa9: {  	_ =	swait.ge [sflag:s28], $0x800;
	v3 =	vshll.u32 v2, $0x3  }
0xaa: {  	v2 =	vand.u32 $0x76, v2;
	[sflag:s28] =	ssyncset.done $0x0;
	v3 =	vand.u32 $0xC00, v3  }
0xab: {  	s26 =	rddreg [dreg:$0xa];
	[sflag:s28] =	ssyncadd.s32 $0xFFFFF800;
	v2 =	vor.u32 v3, v2  }
0xac: {  	v3 =	vld.idx.msk [tilespmem:v4+s26+$0x0], $0xffff;
	v2 =	vor.u32 v1, v2;
	_ =	sdelay $0x2  }
0xad: {  	s8 =	sand.u32 $0x7F, s8  }
0xae: {  	s29 =	simm.s32 $0x7;
	v4 =	vor.u32 s8, v0  }
0xaf: {  	[tilespmem:v2+s12+$0x0] =	vst.idx.msk $0xffff, v3;
	v2 =	vmov s29  }
0xb0: {  	_ =	swait.ge [sflag:s31], $0x800;
	v3 =	vshll.u32 v2, $0x3  }
0xb1: {  	v2 =	vand.u32 $0x77, v2;
	[sflag:s31] =	ssyncset.done $0x0;
	v3 =	vand.u32 $0xC00, v3  }
0xb2: {  	s30 =	rddreg [dreg:$0xb];
	[sflag:s31] =	ssyncadd.s32 $0xFFFFF800;
	v2 =	vor.u32 v3, v2  }
0xb3: {  	v3 =	vld.idx.msk [tilespmem:v4+s30+$0x0], $0xffff;
	v2 =	vor.u32 v1, v2;
	_ =	sdelay $0x2  }
0xb4: {  	s31 =	sand.u32 $0x7F, s11  }
0xb5: {  	s10 =	simm.s32 $0x8;
	v4 =	vor.u32 s31, v0  }
0xb6: {  	s11 =	simm.s32 $0x9;
	[tilespmem:v2+s12+$0x0] =	vst.idx.msk $0xffff, v3;
	v2 =	vmov s10  }
0xb7: {  	_ =	swait.ge [sflag:s11], $0x800;
	v3 =	vshll.u32 v2, $0x3  }
0xb8: {  	v2 =	vand.u32 $0x78, v2;
	[sflag:s11] =	ssyncset.done $0x0;
	v3 =	vand.u32 $0xC00, v3  }
0xb9: {  	s13 =	rddreg [dreg:$0xc];
	[sflag:s11] =	ssyncadd.s32 $0xFFFFF800;
	v2 =	vor.u32 v3, v2  }
0xba: {  	v3 =	vld.idx.msk [tilespmem:v4+s13+$0x0], $0xffff;
	v2 =	vor.u32 v1, v2;
	_ =	sdelay $0x2  }
0xbb: {  	s5 =	sand.u32 $0x7F, s5  }
0xbc: {  	s14 =	simm.s32 $0x9;
	v4 =	vor.u32 s5, v0  }
0xbd: {  	s15 =	simm.s32 $0xA;
	[tilespmem:v2+s12+$0x0] =	vst.idx.msk $0xffff, v3;
	v2 =	vmov s14  }
0xbe: {  	_ =	swait.ge [sflag:s15], $0x800;
	v3 =	vshll.u32 v2, $0x3  }
0xbf: {  	v2 =	vand.u32 $0x79, v2;
	[sflag:s15] =	ssyncset.done $0x0;
	v3 =	vand.u32 $0xC00, v3  }
0xc0: {  	s16 =	rddreg [dreg:$0xd];
	[sflag:s15] =	ssyncadd.s32 $0xFFFFF800;
	v2 =	vor.u32 v3, v2  }
0xc1: {  	v3 =	vld.idx.msk [tilespmem:v4+s16+$0x0], $0xffff;
	v2 =	vor.u32 v1, v2;
	_ =	sdelay $0x2  }
0xc2: {  	s17 =	sand.u32 $0x7F, s9  }
0xc3: {  	s18 =	simm.s32 $0xA;
	v4 =	vor.u32 s17, v0  }
0xc4: {  	s19 =	simm.s32 $0xB;
	[tilespmem:v2+s12+$0x0] =	vst.idx.msk $0xffff, v3;
	v2 =	vmov s18  }
0xc5: {  	_ =	swait.ge [sflag:s19], $0x800;
	v3 =	vshll.u32 v2, $0x3  }
0xc6: {  	v2 =	vand.u32 $0x7A, v2;
	[sflag:s19] =	ssyncset.done $0x0;
	v3 =	vand.u32 $0xC00, v3  }
0xc7: {  	s20 =	rddreg [dreg:$0xe];
	[sflag:s19] =	ssyncadd.s32 $0xFFFFF800;
	v2 =	vor.u32 v3, v2  }
0xc8: {  	v3 =	vld.idx.msk [tilespmem:v4+s20+$0x0], $0xffff;
	v2 =	vor.u32 v1, v2;
	_ =	sdelay $0x2  }
0xc9: {  	s1 =	sand.u32 $0x7F, s1  }
0xca: {  	s21 =	simm.s32 $0xB;
	v4 =	vor.u32 s1, v0  }
0xcb: {  	s22 =	simm.s32 $0xC;
	[tilespmem:v2+s12+$0x0] =	vst.idx.msk $0xffff, v3;
	v2 =	vmov s21  }
0xcc: {  	_ =	swait.ge [sflag:s22], $0x800;
	v3 =	vshll.u32 v2, $0x3  }
0xcd: {  	v2 =	vand.u32 $0x7B, v2;
	[sflag:s22] =	ssyncset.done $0x0;
	v3 =	vand.u32 $0xC00, v3  }
0xce: {  	s23 =	rddreg [dreg:$0xf];
	[sflag:s22] =	ssyncadd.s32 $0xFFFFF800;
	v2 =	vor.u32 v3, v2  }
0xcf: {  	v3 =	vld.idx.msk [tilespmem:v4+s23+$0x0], $0xffff;
	v2 =	vor.u32 v1, v2;
	_ =	sdelay $0x2  }
0xd0: {  	s24 =	sand.u32 $0x7F, s6  }
0xd1: {  	s25 =	simm.s32 $0xC;
	v4 =	vor.u32 s24, v0  }
0xd2: {  	s26 =	simm.s32 $0xD;
	[tilespmem:v2+s12+$0x0] =	vst.idx.msk $0xffff, v3;
	v2 =	vmov s25  }
0xd3: {  	_ =	swait.ge [sflag:s26], $0x800;
	v3 =	vshll.u32 v2, $0x3  }
0xd4: {  	v2 =	vand.u32 $0x7C, v2;
	[sflag:s26] =	ssyncset.done $0x0;
	v3 =	vand.u32 $0xC00, v3  }
0xd5: {  	s28 =	rddreg [dreg:$0x10];
	[sflag:s26] =	ssyncadd.s32 $0xFFFFF800;
	v2 =	vor.u32 v3, v2  }
0xd6: {  	v3 =	vld.idx.msk [tilespmem:v4+s28+$0x0], $0xffff;
	v2 =	vor.u32 v1, v2;
	_ =	sdelay $0x2  }
0xd7: {  	s0 =	sand.u32 $0x7F, s0  }
0xd8: {  	s29 =	simm.s32 $0xD;
	v4 =	vor.u32 s0, v0  }
0xd9: {  	s30 =	simm.s32 $0xE;
	[tilespmem:v2+s12+$0x0] =	vst.idx.msk $0xffff, v3;
	v2 =	vmov s29  }
0xda: {  	_ =	swait.ge [sflag:s30], $0x800;
	v3 =	vshll.u32 v2, $0x3  }
0xdb: {  	s3 =	sand.u32 $0x7F, s3;
	v2 =	vand.u32 $0x7D, v2;
	[sflag:s30] =	ssyncset.done $0x0;
	v3 =	vand.u32 $0xC00, v3  }
0xdc: {  	s9 =	sand.u32 $0x7F, s7;
	s31 =	rddreg [dreg:$0x11];
	[sflag:s30] =	ssyncadd.s32 $0xFFFFF800;
	v5 =	vor.u32 v3, v2  }
0xdd: {  	s8 =	simm.s32 $0x0;
	s1 =	simm.s32 $0xF;
	s0 =	simm.s32 $0x1F;
	v2 =	vor.u32 s3, v0;
	v3 =	vld.idx.msk [tilespmem:v4+s31+$0x0], $0xffff;
	v4 =	vor.u32 v1, v5  }
.LBB2_2:
0xde: {  	_ =	sdelay $0x2  }
0xdf: {  	s5 =	sadd.s32 $0xFFFFFFFF, s1  }
0xe0: {  	s6 =	simm.s32 $0xF;
	[tilespmem:v4+s12+$0x0] =	vst.idx.msk $0xffff, v3;
	v3 =	vmov s5  }
0xe1: {  	_ =	swait.ge [sflag:s6], $0x800;
	v4 =	vshll.u32 v3, $0x3  }
0xe2: {  	v3 =	vand.u32 $0x7E, v3;
	[sflag:s6] =	ssyncset.done $0x0;
	v4 =	vand.u32 $0xC00, v4  }
0xe3: {  	s20 =	rddreg [dreg:$0x12];
	[sflag:s6] =	ssyncadd.s32 $0xFFFFF800;
	v3 =	vor.u32 v4, v3  }
0xe4: {  	v2 =	vld.idx.msk [tilespmem:v2+s20+$0x0], $0xffff;
	v3 =	vor.u32 v1, v3;
	_ =	sdelay $0x3  }
0xe5: {  	v4 =	vor.u32 s9, v0  }
0xe6: {  	s21 =	simm.s32 $0x10;
	[tilespmem:v3+s12+$0x0] =	vst.idx.msk $0xffff, v2;
	v2 =	vmov s1  }
0xe7: {  	_ =	swait.ge [sflag:s21], $0x800;
	v3 =	vshll.u32 v2, $0x3  }
0xe8: {  	v2 =	vand.u32 $0x7F, v2;
	[sflag:s21] =	ssyncset.done $0x0;
	v3 =	vand.u32 $0xC00, v3  }
0xe9: {  	s22 =	rddreg [dreg:$0x13];
	[sflag:s21] =	ssyncadd.s32 $0xFFFFF800;
	v2 =	vor.u32 v3, v2  }
0xea: {  	v3 =	vld.idx.msk [tilespmem:v4+s22+$0x0], $0xffff;
	v2 =	vor.u32 v1, v2;
	_ =	sdelay $0x4  }
0xeb: {  	s8 =	sadd.s32 $0x10, s8;
	[tilespmem:v2+s12+$0x0] =	vst.idx.msk $0xffff, v3  }
0xec: {  	v2 =	vld [tilespmem:s8+$0x0];
	_ =	sdelay $0x4  }
0xed: {  	(v2sf) =	vpush v2, $0x0  }
0xee: {  	(v2sf) =	vpush v2, $0x1  }
0xef: {  	(v2sf) =	vpush v2, $0x2;
	_ =	sdelay $0x2  }
0xf0: {  	(v2sf) =	vpush v2, $0x3;
	_ =	sdelay $0x8  }
0xf1: {  	s3 =	smov.u32 s0  }
0xf2: {  	s1 =	smov.u32 s3;
	s3 =	spop (v2sf)  }
0xf3: {  	s23 =	sand.u32 $0xFFFFFF80, s3;
	s9 =	sand.u32 $0x7F, s3;
	s6 =	spop (v2sf)  }
0xf4: {  	p3 =	seq.s32 s23, $0xF4200;
	s24 =	sand.u32 $0xFFFFFF80, s6;
	s7 =	spop (v2sf)  }
0xf5: {  	s10 =	simm.s32 @p3 $0x0;
	s11 =	simm.s32 @p3 $0x200;
	s3 =	sand.u32 @!p3 $0xFFFFF80, s3  }
0xf6: {  	p2 =	seq.s32 s24, $0xF4200;
	s5 =	simm.s32 @!p3 $0x7A1400;
	s15 =	simm.s32 @!p3 $0x400  }
0xf7: {  	s17 =	simm.s32 @!p3 $0x200;
	s25 =	sand.u32 $0xFFFFFF80, s7;
	s18 =	spop (v2sf)  }
0xf8: {  	(v2sf) =	vpush v2, $0x4;
	s13 =	sand.u32 @!p2 $0xFFFFF80, s6;
	s14 =	sadd.s32 @!p3 s2, s3;
	s16 =	simm.s32 @!p2 $0xA00  }
0xf9: {  	(v2sf) =	vpush v2, $0x5;
	[tilespmem:s11], [sflag:$0x1] =	stream.linear.gather @p3 [hbm4b:s4+s10], $0x800, $0x38;
	[tilespmem:$0xA200] =	vst v63  }
0xfa: {  	p1 =	seq.s32 s25, $0xF4200;
	s3 =	sand.u32 $0x7F, s6;
	s6 =	simm.s32 @p2 $0x0  }
0xfb: {  	s10 =	simm.s32 @p2 $0xA00;
	s26 =	sand.u32 $0xFFFFFF80, s18;
	s11 =	sand.u32 @!p1 $0xFFFFF80, s7  }
0xfc: {  	(v2sf) =	vpush v2, $0x6;
	[tilespmem:s17], [sflag:$0x1] =	stream.strided.gather @!p3 [hbm4b:s14+s15], $0x800, s5, s15, $0x38;
	[tilespmem:$0xA200] =	vst v63  }
0xfd: {  	s13 =	sadd.s32 @!p2 s2, s13;
	s5 =	simm.s32 @!p2 $0x7A1400;
	s11 =	sadd.s32 @!p1 s2, s11  }
0xfe: {  	(v2sf) =	vpush v2, $0x7;
	[tilespmem:s10], [sflag:$0x2] =	stream.linear.gather @p2 [hbm4b:s4+s6], $0x800, $0x38;
	[tilespmem:$0xA200] =	vst v63  }
0xff: {  	s15 =	simm.s32 @!p1 $0x1200;
	s6 =	simm.s32 @!p2 $0x400;
	s10 =	simm.s32 @!p1 $0x7A1400  }
0x100: {  	[tilespmem:s16], [sflag:$0x2] =	stream.strided.gather @!p2 [hbm4b:s13+s6], $0x800, s5, s6, $0x38;
	[tilespmem:$0xA200] =	vst v63  }
0x101: {  	s5 =	simm.s32 @p1 $0x0;
	s6 =	simm.s32 @p1 $0x1200;
	p2 =	seq.s32 s26, $0xF4200  }
0x102: {  	[tilespmem:s6], [sflag:$0x3] =	stream.linear.gather @p1 [hbm4b:s4+s5], $0x800, $0x38;
	[tilespmem:$0xA200] =	vst v63  }
0x103: {  	s13 =	simm.s32 @!p1 $0x400;
	s14 =	simm.s32 @p2 $0x0;
	s19 =	sand.u32 @!p2 $0xFFFFF80, s18  }
0x104: {  	[tilespmem:s15], [sflag:$0x3] =	stream.strided.gather @!p1 [hbm4b:s11+s13], $0x800, s10, s13, $0x38;
	[tilespmem:$0xA200] =	vst v63  }
0x105: {  	s16 =	simm.s32 @p2 $0x1A00;
	s6 =	sand.u32 $0x7F, s7;
	s10 =	sadd.s32 @!p2 s2, s19  }
0x106: {  	[tilespmem:s16], [sflag:$0x4] =	stream.linear.gather @p2 [hbm4b:s4+s14], $0x800, $0x38;
	[tilespmem:$0xA200] =	vst v63  }
0x107: {  	s11 =	simm.s32 @!p2 $0x400;
	s13 =	simm.s32 @!p2 $0x7A1400;
	s5 =	spop (v2sf)  }
0x108: {  	s14 =	simm.s32 @!p2 $0x1A00;
	s29 =	sand.u32 $0xFFFFFF80, s5;
	s7 =	spop (v2sf)  }
0x109: {  	[tilespmem:s14], [sflag:$0x4] =	stream.strided.gather @!p2 [hbm4b:s10+s11], $0x800, s13, s11, $0x38;
	[tilespmem:$0xA200] =	vst v63  }
0x10a: {  	s30 =	sand.u32 $0x7F, s18;
	p1 =	seq.s32 s29, $0xF4200;
	s20 =	sand.u32 $0xFFFFFF80, s7  }
0x10b: {  	s15 =	spop (v2sf);
	s16 =	simm.s32 @p1 $0x0;
	s18 =	sand.u32 @!p1 $0xFFFFF80, s5  }
0x10c: {  	s17 =	simm.s32 @p1 $0x2200;
	s11 =	simm.s32 @!p1 $0x400;
	s14 =	simm.s32 @!p1 $0x7A1400  }
0x10d: {  	(v2sf) =	vpush v2, $0x8;
	p2 =	seq.s32 s20, $0xF4200;
	s21 =	sand.u32 $0xFFFFFF80, s15;
	s13 =	spop (v2sf)  }
0x10e: {  	[tilespmem:s17], [sflag:$0x5] =	stream.linear.gather @p1 [hbm4b:s4+s16], $0x800, $0x38;
	[tilespmem:$0xA200] =	vst v63  }
0x10f: {  	(v2sf) =	vpush v2, $0x9;
	s10 =	sadd.s32 @!p1 s2, s18;
	s16 =	simm.s32 @!p1 $0x2200;
	s17 =	simm.s32 @p2 $0x0  }
0x110: {  	s18 =	simm.s32 @p2 $0x2A00;
	s20 =	sand.u32 @!p2 $0xFFFFF80, s7;
	s22 =	sand.u32 $0xFFFFFF80, s13  }
0x111: {  	(v2sf) =	vpush v2, $0xA;
	[tilespmem:s16], [sflag:$0x5] =	stream.strided.gather @!p1 [hbm4b:s10+s11], $0x800, s14, s11, $0x38;
	[tilespmem:$0xA200] =	vst v63  }
0x112: {  	s10 =	sadd.s32 @!p2 s2, s20;
	s14 =	simm.s32 @!p2 $0x7A1400;
	p1 =	seq.s32 s21, $0xF4200  }
0x113: {  	[tilespmem:s18], [sflag:$0x6] =	stream.linear.gather @p2 [hbm4b:s4+s17], $0x800, $0x38;
	[tilespmem:$0xA200] =	vst v63  }
0x114: {  	s11 =	simm.s32 @!p2 $0x400;
	s16 =	simm.s32 @!p2 $0x2A00;
	s20 =	sand.u32 @!p1 $0xFFFFF80, s15  }
0x115: {  	[tilespmem:s16], [sflag:$0x6] =	stream.strided.gather @!p2 [hbm4b:s10+s11], $0x800, s14, s11, $0x38;
	[tilespmem:$0xA200] =	vst v63  }
0x116: {  	s19 =	simm.s32 @p1 $0x3200;
	s18 =	simm.s32 @p1 $0x0;
	s11 =	sadd.s32 @!p1 s2, s20  }
0x117: {  	(v2sf) =	vpush v2, $0xB;
	s16 =	simm.s32 @!p1 $0x400;
	s20 =	simm.s32 @!p1 $0x7A1400;
	p2 =	seq.s32 s22, $0xF4200  }
0x118: {  	[tilespmem:s19], [sflag:$0x7] =	stream.linear.gather @p1 [hbm4b:s4+s18], $0x800, $0x38;
	[tilespmem:$0xA200] =	vst v63  }
0x119: {  	s10 =	sand.u32 $0x7F, s7;
	s31 =	sand.u32 @!p2 $0xFFFFF80, s13;
	s18 =	simm.s32 @!p1 $0x3200  }
0x11a: {  	[tilespmem:s18], [sflag:$0x7] =	stream.strided.gather @!p1 [hbm4b:s11+s16], $0x800, s20, s16, $0x38;
	[tilespmem:$0xA200] =	vst v63  }
0x11b: {  	s17 =	simm.s32 @p2 $0x0;
	s19 =	simm.s32 @p2 $0x3A00;
	s11 =	sadd.s32 @!p2 s2, s31  }
0x11c: {  	s16 =	simm.s32 @!p2 $0x400;
	s18 =	simm.s32 @!p2 $0x7A1400;
	s14 =	spop (v2sf)  }
0x11d: {  	[tilespmem:s19], [sflag:$0x8] =	stream.linear.gather @p2 [hbm4b:s4+s17], $0x800, $0x38;
	[tilespmem:$0xA200] =	vst v63  }
0x11e: {  	s17 =	simm.s32 @!p2 $0x3A00;
	s29 =	sand.u32 $0xFFFFFF80, s14;
	s7 =	spop (v2sf)  }
0x11f: {  	[tilespmem:s17], [sflag:$0x8] =	stream.strided.gather @!p2 [hbm4b:s11+s16], $0x800, s18, s16, $0x38;
	[tilespmem:$0xA200] =	vst v63  }
0x120: {  	p1 =	seq.s32 s29, $0xF4200;
	s23 =	sand.u32 $0xFFFFFF80, s7;
	s11 =	spop (v2sf)  }
0x121: {  	s20 =	simm.s32 @p1 $0x0;
	s29 =	simm.s32 @p1 $0x4200;
	s31 =	sand.u32 @!p1 $0xFFFFF80, s14  }
0x122: {  	(v2sf) =	vpush v2, $0xC;
	s17 =	simm.s32 @!p1 $0x400;
	s18 =	simm.s32 @!p1 $0x7A1400;
	p2 =	seq.s32 s23, $0xF4200  }
0x123: {  	[tilespmem:s29], [sflag:$0x9] =	stream.linear.gather @p1 [hbm4b:s4+s20], $0x800, $0x38;
	[tilespmem:$0xA200] =	vst v63  }
0x124: {  	s22 =	sand.u32 $0xFFFFFF80, s11;
	s16 =	sadd.s32 @!p1 s2, s31;
	s20 =	simm.s32 @!p1 $0x4200  }
0x125: {  	(v2sf) =	vpush v2, $0xD;
	s19 =	simm.s32 @p2 $0x0;
	s21 =	simm.s32 @p2 $0x4A00;
	s23 =	sand.u32 @!p2 $0xFFFFF80, s7  }
0x126: {  	s31 =	sand.u32 $0x7F, s15;
	s29 =	spop (v2sf);
	s15 =	sadd.s32 @!p2 s2, s23  }
0x127: {  	[tilespmem:s20], [sflag:$0x9] =	stream.strided.gather @!p1 [hbm4b:s16+s17], $0x800, s18, s17, $0x38;
	[tilespmem:$0xA200] =	vst v63  }
0x128: {  	s24 =	sand.u32 $0xFFFFFF80, s29;
	s17 =	simm.s32 @!p2 $0x7A1400;
	p1 =	seq.s32 s22, $0xF4200  }
0x129: {  	(v2sf) =	vpush v2, $0xE;
	[tilespmem:s21], [sflag:$0xA] =	stream.linear.gather @p2 [hbm4b:s4+s19], $0x800, $0x38;
	[tilespmem:$0xA200] =	vst v63  }
0x12a: {  	s16 =	simm.s32 @!p2 $0x400;
	s18 =	simm.s32 @!p2 $0x4A00;
	s22 =	sand.u32 @!p1 $0xFFFFF80, s11  }
0x12b: {  	[tilespmem:s18], [sflag:$0xA] =	stream.strided.gather @!p2 [hbm4b:s15+s16], $0x800, s17, s16, $0x38;
	[tilespmem:$0xA200] =	vst v63  }
0x12c: {  	s20 =	simm.s32 @p1 $0x0;
	s21 =	simm.s32 @p1 $0x5200;
	s15 =	sadd.s32 @!p1 s2, s22  }
0x12d: {  	s16 =	simm.s32 @!p1 $0x400;
	s22 =	simm.s32 @!p1 $0x7A1400;
	p2 =	seq.s32 s24, $0xF4200  }
0x12e: {  	(v2sf) =	vpush v2, $0xF;
	[tilespmem:s21], [sflag:$0xB] =	stream.linear.gather @p1 [hbm4b:s4+s20], $0x800, $0x38;
	[tilespmem:$0xA200] =	vst v63  }
0x12f: {  	s19 =	simm.s32 @p2 $0x0;
	s24 =	sand.u32 @!p2 $0xFFFFF80, s29;
	s20 =	simm.s32 @!p1 $0x5200  }
0x130: {  	[tilespmem:s20], [sflag:$0xB] =	stream.strided.gather @!p1 [hbm4b:s15+s16], $0x800, s22, s16, $0x38;
	[tilespmem:$0xA200] =	vst v63  }
0x131: {  	s21 =	simm.s32 @p2 $0x5A00;
	s15 =	sadd.s32 @!p2 s2, s24;
	s17 =	spop (v2sf)  }
0x132: {  	[tilespmem:s21], [sflag:$0xC] =	stream.linear.gather @p2 [hbm4b:s4+s19], $0x800, $0x38;
	[tilespmem:$0xA200] =	vst v63  }
0x133: {  	s16 =	simm.s32 @!p2 $0x400;
	s20 =	simm.s32 @!p2 $0x7A1400;
	s25 =	sand.u32 $0xFFFFFF80, s17  }
0x134: {  	s19 =	simm.s32 @!p2 $0x5A00;
	s18 =	spop (v2sf);
	p1 =	seq.s32 s25, $0xF4200  }
0x135: {  	[tilespmem:s19], [sflag:$0xC] =	stream.strided.gather @!p2 [hbm4b:s15+s16], $0x800, s20, s16, $0x38;
	[tilespmem:$0xA200] =	vst v63  }
0x136: {  	s26 =	sand.u32 $0xFFFFFF80, s18;
	s15 =	sand.u32 $0x7F, s14;
	s23 =	simm.s32 @p1 $0x6200  }
0x137: {  	s22 =	simm.s32 @p1 $0x0;
	s24 =	sand.u32 @!p1 $0xFFFFF80, s17;
	s25 =	simm.s32 @!p1 $0x7A1400  }
0x138: {  	p2 =	seq.s32 s26, $0xF4200;
	s19 =	spop (v2sf);
	s16 =	sadd.s32 @!p1 s2, s24  }
0x139: {  	[tilespmem:s23], [sflag:$0xD] =	stream.linear.gather @p1 [hbm4b:s4+s22], $0x800, $0x38;
	[tilespmem:$0xA200] =	vst v63  }
0x13a: {  	s24 =	simm.s32 @!p1 $0x400;
	s22 =	simm.s32 @!p1 $0x6200;
	s21 =	simm.s32 @p2 $0x0  }
0x13b: {  	s23 =	simm.s32 @p2 $0x6A00;
	s26 =	sand.u32 $0xFFFFFF80, s19;
	s28 =	sand.u32 @!p2 $0xFFFFF80, s18  }
0x13c: {  	[tilespmem:s22], [sflag:$0xD] =	stream.strided.gather @!p1 [hbm4b:s16+s24], $0x800, s25, s24, $0x38;
	[tilespmem:$0xA200] =	vst v63  }
0x13d: {  	s20 =	spop (v2sf);
	s14 =	sadd.s32 @!p2 s2, s28;
	p1 =	seq.s32 s26, $0xF4200  }
0x13e: {  	s16 =	simm.s32 @!p2 $0x400;
	s22 =	simm.s32 @!p2 $0x7A1400;
	s24 =	simm.s32 @p1 $0x0  }
0x13f: {  	[tilespmem:s23], [sflag:$0xE] =	stream.linear.gather @p2 [hbm4b:s4+s21], $0x800, $0x38;
	[tilespmem:$0xA200] =	vst v63  }
0x140: {  	s25 =	simm.s32 @p1 $0x7200;
	s26 =	sand.u32 @!p1 $0xFFFFF80, s19;
	s21 =	simm.s32 @!p2 $0x6A00  }
0x141: {  	[tilespmem:s21], [sflag:$0xE] =	stream.strided.gather @!p2 [hbm4b:s14+s16], $0x800, s22, s16, $0x38;
	[tilespmem:$0xA200] =	vst v63  }
0x142: {  	s23 =	sand.u32 $0xFFFFFF80, s20;
	s14 =	sadd.s32 @!p1 s2, s26;
	s21 =	simm.s32 @!p1 $0x400  }
0x143: {  	s22 =	simm.s32 @!p1 $0x7A1400;
	p2 =	seq.s32 s23, $0xF4200;
	s16 =	sand.u32 $0x7F, s7  }
0x144: {  	[tilespmem:s25], [sflag:$0xF] =	stream.linear.gather @p1 [hbm4b:s4+s24], $0x800, $0x38;
	[tilespmem:$0xA200] =	vst v63  }
0x145: {  	s7 =	simm.s32 @p2 $0x0;
	s24 =	simm.s32 @!p1 $0x7200;
	s25 =	sand.u32 @!p2 $0xFFFFF80, s20  }
0x146: {  	[tilespmem:s24], [sflag:$0xF] =	stream.strided.gather @!p1 [hbm4b:s14+s21], $0x800, s22, s21, $0x38;
	[tilespmem:$0xA200] =	vst v63  }
0x147: {  	s23 =	simm.s32 @p2 $0x7A00;
	s21 =	sadd.s32 @!p2 s2, s25;
	s22 =	simm.s32 @!p2 $0x400  }
0x148: {  	[tilespmem:s23], [sflag:$0x10] =	stream.linear.gather @p2 [hbm4b:s4+s7], $0x800, $0x38;
	[tilespmem:$0xA200] =	vst v63  }
0x149: {  	s24 =	simm.s32 @!p2 $0x7A1400;
	s7 =	sadd.s32 $0xFFFFFFF1, s1;
	s23 =	simm.s32 @!p2 $0x7A00  }
0x14a: {  	v3 =	vor.u32 s9, v0;
	[tilespmem:s23], [sflag:$0x10] =	stream.strided.gather @!p2 [hbm4b:s21+s22], $0x800, s24, s22, $0x38;
	[tilespmem:$0xA200] =	vst v63  }
0x14b: {  	v2 =	vmov s7;
	s21 =	simm.s32 $0x1  }
0x14c: {  	v4 =	vshll.u32 v2, $0x3;
	_ =	swait.ge [sflag:s21], $0x800  }
0x14d: {  	v2 =	vand.u32 $0x70, v2;
	v4 =	vand.u32 $0xC00, v4;
	[sflag:s21] =	ssyncset.done $0x0  }
0x14e: {  	s7 =	sand.u32 $0x7F, s17;
	s17 =	rddreg [dreg:$0x4];
	v4 =	vor.u32 v4, v2;
	[sflag:s21] =	ssyncadd.s32 $0xFFFFF800  }
0x14f: {  	v4 =	vor.u32 v1, v4;
	v3 =	vld.idx.msk [tilespmem:v3+s17+$0x0], $0xffff;
	_ =	sdelay $0x3  }
0x150: {  	v5 =	vor.u32 s3, v0;
	s17 =	sadd.s32 $0xFFFFFFF2, s1  }
0x151: {  	s22 =	simm.s32 $0x2;
	[tilespmem:v4+s12+$0x0] =	vst.idx.msk $0xffff, v3;
	v3 =	vmov s17  }
0x152: {  	_ =	swait.ge [sflag:s22], $0x800;
	v4 =	vshll.u32 v3, $0x3  }
0x153: {  	s14 =	sand.u32 $0x7F, s11;
	s11 =	sand.u32 $0x7F, s29;
	v3 =	vand.u32 $0x71, v3;
	[sflag:s22] =	ssyncset.done $0x0;
	v4 =	vand.u32 $0xC00, v4  }
0x154: {  	s29 =	sand.u32 $0x7F, s18;
	s18 =	rddreg [dreg:$0x5];
	[sflag:s22] =	ssyncadd.s32 $0xFFFFF800;
	v3 =	vor.u32 v4, v3  }
0x155: {  	v4 =	vld.idx.msk [tilespmem:v5+s18+$0x0], $0xffff;
	v3 =	vor.u32 v1, v3;
	_ =	sdelay $0x2  }
0x156: {  	s19 =	sand.u32 $0x7F, s19  }
0x157: {  	v2 =	vor.u32 s19, v0;
	s19 =	sadd.s32 $0xFFFFFFF3, s1;
	v5 =	vor.u32 s6, v0  }
0x158: {  	s23 =	simm.s32 $0x3;
	[tilespmem:v3+s12+$0x0] =	vst.idx.msk $0xffff, v4;
	v3 =	vmov s19  }
0x159: {  	_ =	swait.ge [sflag:s23], $0x800;
	v4 =	vshll.u32 v3, $0x3  }
0x15a: {  	v3 =	vand.u32 $0x72, v3;
	[sflag:s23] =	ssyncset.done $0x0;
	v4 =	vand.u32 $0xC00, v4  }
0x15b: {  	s9 =	sand.u32 $0x7F, s20;
	s20 =	rddreg [dreg:$0x6];
	[sflag:s23] =	ssyncadd.s32 $0xFFFFF800;
	v3 =	vor.u32 v4, v3  }
0x15c: {  	v4 =	vld.idx.msk [tilespmem:v5+s20+$0x0], $0xffff;
	v3 =	vor.u32 v1, v3;
	_ =	sdelay $0x3  }
0x15d: {  	s6 =	sadd.s32 $0xFFFFFFF4, s1;
	v5 =	vor.u32 s30, v0  }
0x15e: {  	s24 =	simm.s32 $0x4;
	[tilespmem:v3+s12+$0x0] =	vst.idx.msk $0xffff, v4;
	v3 =	vmov s6  }
0x15f: {  	_ =	swait.ge [sflag:s24], $0x800;
	v4 =	vshll.u32 v3, $0x3  }
0x160: {  	v3 =	vand.u32 $0x73, v3;
	[sflag:s24] =	ssyncset.done $0x0;
	v4 =	vand.u32 $0xC00, v4  }
0x161: {  	s17 =	rddreg [dreg:$0x7];
	[sflag:s24] =	ssyncadd.s32 $0xFFFFF800;
	v3 =	vor.u32 v4, v3  }
0x162: {  	v4 =	vld.idx.msk [tilespmem:v5+s17+$0x0], $0xffff;
	v3 =	vor.u32 v1, v3;
	_ =	sdelay $0x2  }
0x163: {  	s5 =	sand.u32 $0x7F, s5  }
0x164: {  	s18 =	sadd.s32 $0xFFFFFFF5, s1;
	v5 =	vor.u32 s5, v0  }
0x165: {  	s25 =	simm.s32 $0x5;
	[tilespmem:v3+s12+$0x0] =	vst.idx.msk $0xffff, v4;
	v3 =	vmov s18  }
0x166: {  	_ =	swait.ge [sflag:s25], $0x800;
	v4 =	vshll.u32 v3, $0x3  }
0x167: {  	v3 =	vand.u32 $0x74, v3;
	[sflag:s25] =	ssyncset.done $0x0;
	v4 =	vand.u32 $0xC00, v4  }
0x168: {  	s19 =	rddreg [dreg:$0x8];
	[sflag:s25] =	ssyncadd.s32 $0xFFFFF800;
	v3 =	vor.u32 v4, v3  }
0x169: {  	v4 =	vld.idx.msk [tilespmem:v5+s19+$0x0], $0xffff;
	v3 =	vor.u32 v1, v3;
	_ =	sdelay $0x3  }
0x16a: {  	s20 =	sadd.s32 $0xFFFFFFF6, s1;
	v5 =	vor.u32 s10, v0  }
0x16b: {  	s26 =	simm.s32 $0x6;
	[tilespmem:v3+s12+$0x0] =	vst.idx.msk $0xffff, v4;
	v3 =	vmov s20  }
0x16c: {  	_ =	swait.ge [sflag:s26], $0x800;
	v4 =	vshll.u32 v3, $0x3  }
0x16d: {  	v3 =	vand.u32 $0x75, v3;
	[sflag:s26] =	ssyncset.done $0x0;
	v4 =	vand.u32 $0xC00, v4  }
0x16e: {  	s30 =	rddreg [dreg:$0x9];
	[sflag:s26] =	ssyncadd.s32 $0xFFFFF800;
	v3 =	vor.u32 v4, v3  }
0x16f: {  	v4 =	vld.idx.msk [tilespmem:v5+s30+$0x0], $0xffff;
	v3 =	vor.u32 v1, v3;
	_ =	sdelay $0x3  }
0x170: {  	s5 =	sadd.s32 $0xFFFFFFF7, s1;
	v5 =	vor.u32 s31, v0  }
0x171: {  	s28 =	simm.s32 $0x7;
	[tilespmem:v3+s12+$0x0] =	vst.idx.msk $0xffff, v4;
	v3 =	vmov s5  }
0x172: {  	_ =	swait.ge [sflag:s28], $0x800;
	v4 =	vshll.u32 v3, $0x3  }
0x173: {  	v3 =	vand.u32 $0x76, v3;
	[sflag:s28] =	ssyncset.done $0x0;
	v4 =	vand.u32 $0xC00, v4  }
0x174: {  	s6 =	rddreg [dreg:$0xa];
	[sflag:s28] =	ssyncadd.s32 $0xFFFFF800;
	v3 =	vor.u32 v4, v3  }
0x175: {  	v4 =	vld.idx.msk [tilespmem:v5+s6+$0x0], $0xffff;
	v3 =	vor.u32 v1, v3;
	_ =	sdelay $0x2  }
0x176: {  	s13 =	sand.u32 $0x7F, s13  }
0x177: {  	s10 =	sadd.s32 $0xFFFFFFF8, s1;
	v5 =	vor.u32 s13, v0  }
0x178: {  	s31 =	simm.s32 $0x8;
	[tilespmem:v3+s12+$0x0] =	vst.idx.msk $0xffff, v4;
	v3 =	vmov s10  }
0x179: {  	_ =	swait.ge [sflag:s31], $0x800;
	v4 =	vshll.u32 v3, $0x3  }
0x17a: {  	v3 =	vand.u32 $0x77, v3;
	[sflag:s31] =	ssyncset.done $0x0;
	v4 =	vand.u32 $0xC00, v4  }
0x17b: {  	s13 =	rddreg [dreg:$0xb];
	[sflag:s31] =	ssyncadd.s32 $0xFFFFF800;
	v3 =	vor.u32 v4, v3  }
0x17c: {  	v4 =	vld.idx.msk [tilespmem:v5+s13+$0x0], $0xffff;
	v3 =	vor.u32 v1, v3;
	_ =	sdelay $0x3  }
0x17d: {  	v5 =	vor.u32 s15, v0;
	s15 =	sadd.s32 $0xFFFFFFF9, s1  }
0x17e: {  	s17 =	simm.s32 $0x9;
	[tilespmem:v3+s12+$0x0] =	vst.idx.msk $0xffff, v4;
	v3 =	vmov s15  }
0x17f: {  	_ =	swait.ge [sflag:s17], $0x800;
	v4 =	vshll.u32 v3, $0x3  }
0x180: {  	v3 =	vand.u32 $0x78, v3;
	[sflag:s17] =	ssyncset.done $0x0;
	v4 =	vand.u32 $0xC00, v4  }
0x181: {  	s18 =	rddreg [dreg:$0xc];
	[sflag:s17] =	ssyncadd.s32 $0xFFFFF800;
	v3 =	vor.u32 v4, v3  }
0x182: {  	v4 =	vld.idx.msk [tilespmem:v5+s18+$0x0], $0xffff;
	v3 =	vor.u32 v1, v3;
	_ =	sdelay $0x3  }
0x183: {  	s19 =	sadd.s32 $0xFFFFFFFA, s1;
	v5 =	vor.u32 s16, v0  }
0x184: {  	s20 =	simm.s32 $0xA;
	[tilespmem:v3+s12+$0x0] =	vst.idx.msk $0xffff, v4;
	v3 =	vmov s19  }
0x185: {  	_ =	swait.ge [sflag:s20], $0x800;
	v4 =	vshll.u32 v3, $0x3  }
0x186: {  	v3 =	vand.u32 $0x79, v3;
	[sflag:s20] =	ssyncset.done $0x0;
	v4 =	vand.u32 $0xC00, v4  }
0x187: {  	s30 =	rddreg [dreg:$0xd];
	[sflag:s20] =	ssyncadd.s32 $0xFFFFF800;
	v3 =	vor.u32 v4, v3  }
0x188: {  	v4 =	vld.idx.msk [tilespmem:v5+s30+$0x0], $0xffff;
	v3 =	vor.u32 v1, v3;
	_ =	sdelay $0x3  }
0x189: {  	s6 =	sadd.s32 $0xFFFFFFFB, s1;
	v5 =	vor.u32 s14, v0  }
0x18a: {  	s10 =	simm.s32 $0xB;
	[tilespmem:v3+s12+$0x0] =	vst.idx.msk $0xffff, v4;
	v3 =	vmov s6  }
0x18b: {  	_ =	swait.ge [sflag:s10], $0x800;
	v4 =	vshll.u32 v3, $0x3  }
0x18c: {  	v3 =	vand.u32 $0x7A, v3;
	[sflag:s10] =	ssyncset.done $0x0;
	v4 =	vand.u32 $0xC00, v4  }
0x18d: {  	s13 =	rddreg [dreg:$0xe];
	[sflag:s10] =	ssyncadd.s32 $0xFFFFF800;
	v3 =	vor.u32 v4, v3  }
0x18e: {  	v4 =	vld.idx.msk [tilespmem:v5+s13+$0x0], $0xffff;
	v3 =	vor.u32 v1, v3;
	_ =	sdelay $0x3  }
0x18f: {  	s14 =	sadd.s32 $0xFFFFFFFC, s1;
	v5 =	vor.u32 s11, v0  }
0x190: {  	s15 =	simm.s32 $0xC;
	[tilespmem:v3+s12+$0x0] =	vst.idx.msk $0xffff, v4;
	v3 =	vmov s14  }
0x191: {  	_ =	swait.ge [sflag:s15], $0x800;
	v4 =	vshll.u32 v3, $0x3  }
0x192: {  	v3 =	vand.u32 $0x7B, v3;
	[sflag:s15] =	ssyncset.done $0x0;
	v4 =	vand.u32 $0xC00, v4  }
0x193: {  	s16 =	rddreg [dreg:$0xf];
	[sflag:s15] =	ssyncadd.s32 $0xFFFFF800;
	v3 =	vor.u32 v4, v3  }
0x194: {  	v4 =	vld.idx.msk [tilespmem:v5+s16+$0x0], $0xffff;
	v3 =	vor.u32 v1, v3;
	_ =	sdelay $0x3  }
0x195: {  	s17 =	sadd.s32 $0xFFFFFFFD, s1;
	v5 =	vor.u32 s7, v0  }
0x196: {  	s18 =	simm.s32 $0xD;
	[tilespmem:v3+s12+$0x0] =	vst.idx.msk $0xffff, v4;
	v3 =	vmov s17  }
0x197: {  	_ =	swait.ge [sflag:s18], $0x800;
	v4 =	vshll.u32 v3, $0x3  }
0x198: {  	v3 =	vand.u32 $0x7C, v3;
	[sflag:s18] =	ssyncset.done $0x0;
	v4 =	vand.u32 $0xC00, v4  }
0x199: {  	s19 =	rddreg [dreg:$0x10];
	[sflag:s18] =	ssyncadd.s32 $0xFFFFF800;
	v3 =	vor.u32 v4, v3  }
0x19a: {  	v4 =	vld.idx.msk [tilespmem:v5+s19+$0x0], $0xffff;
	v3 =	vor.u32 v1, v3;
	_ =	sdelay $0x2  }
0x19b: {  	s0 =	sadd.s32 $0x10, s0  }
0x19c: {  	p0 =	sne.s32 s0, $0x20F;
	s20 =	sadd.s32 $0xFFFFFFFE, s1;
	v5 =	vor.u32 s29, v0  }
.Ltmp0:
0x19d: {  	s29 =	simm.s32 $0xE;
	[tilespmem:v3+s12+$0x0] =	vst.idx.msk $0xffff, v4;
	v3 =	vmov s20;
	(pc) =	sbr.rel @p0 .LBB2_2-.Ltmp0, $4  }
0x19e: {  	_ =	swait.ge [sflag:s29], $0x800;
	v4 =	vshll.u32 v3, $0x3  }
0x19f: {  	v3 =	vand.u32 $0x7D, v3;
	[sflag:s29] =	ssyncset.done $0x0;
	v4 =	vand.u32 $0xC00, v4  }
0x1a0: {  	s30 =	rddreg [dreg:$0x11];
	[sflag:s29] =	ssyncadd.s32 $0xFFFFF800;
	v4 =	vor.u32 v4, v3  }
0x1a1: {  	v3 =	vld.idx.msk [tilespmem:v5+s30+$0x0], $0xffff;
	v4 =	vor.u32 v1, v4  }
0x1a2: {  	_ =	sdelay $0x2  }
0x1a3: {  	s0 =	sadd.s32 $0xFFFFFFFF, s1  }
0x1a4: {  	s3 =	simm.s32 $0xF;
	[tilespmem:v4+s12+$0x0] =	vst.idx.msk $0xffff, v3;
	v3 =	vmov s0  }
0x1a5: {  	_ =	swait.ge [sflag:s3], $0x800;
	v62 =	vshll.u32 v3, $0x3  }
0x1a6: {  	v3 =	vand.u32 $0x7E, v3;
	[sflag:s3] =	ssyncset.done $0x0;
	v4 =	vand.u32 $0xC00, v62  }
0x1a7: {  	s15 =	rddreg [dreg:$0x12];
	[sflag:s3] =	ssyncadd.s32 $0xFFFFF800;
	v3 =	vor.u32 v4, v3  }
0x1a8: {  	v2 =	vld.idx.msk [tilespmem:v2+s15+$0x0], $0xffff;
	v3 =	vor.u32 v1, v3;
	_ =	sdelay $0x3  }
0x1a9: {  	v63 =	vor.u32 s9, v0  }
0x1aa: {  	s16 =	simm.s32 $0x10;
	[tilespmem:v3+s12+$0x0] =	vst.idx.msk $0xffff, v2;
	v2 =	vmov s1  }
0x1ab: {  	_ =	swait.ge [sflag:s16], $0x800;
	v3 =	vshll.u32 v2, $0x3  }
0x1ac: {  	v2 =	vand.u32 $0x7F, v2;
	[sflag:s16] =	ssyncset.done $0x0;
	v3 =	vand.u32 $0xC00, v3  }
0x1ad: {  	s17 =	rddreg [dreg:$0x13];
	[sflag:s16] =	ssyncadd.s32 $0xFFFFF800;
	v2 =	vor.u32 v3, v2  }
0x1ae: {  	v3 =	vld.idx.msk [tilespmem:v63+s17+$0x0], $0xffff;
	v2 =	vor.u32 v1, v2;
	_ =	sdelay $0x3  }
0x1af: {  	s19 =	simm.s32 $0x1000  }
0x1b0: {  	s20 =	simm.s32 $0x20000;
	s6 =	simm.s32 $0x11;
	s18 =	rddreg [dreg:$0x15];
	[tilespmem:v2+s12+$0x0] =	vst.idx.msk $0xffff, v3  }
0x1b1: {  	[hbm4b:s18+s19] =	stream.strided.scatter [tilespmem:s12], [sflag:$0x11], $0x2000, s20, s19, $0x38;
	[tilespmem:$0xA200] =	vst v63  }
0x1b2: {  	_ =	swait.ge [sflag:s6], $0x2000  }
0x1b3: {  	s29 =	rddreg [dreg:$0x17]  }
0x1b4: {  	s30 =	rddreg [dreg:$0x16];
	s1 =	sadd.s32 $0x1, s29  }
0x1b5: {  	p0 =	sne.s32 s1, s30  }
.Ltmp1:
0x1b6: {  	_ = 	snop;
	(pc) =	sbr.rel @p0 .LBB2_1-.Ltmp1, $3  }
0x1b7: {  	_ =	sdelay $0x1  }
0x1b8: {  	[sflag:s6] =	ssyncset.done $0x0  }
0x1b9: {  	[sflag:s6] =	ssyncadd.s32 $0xFFFFE000  }
0x1ba: {  	_ =	sfence.sel $0x180000  }
0x1bb: {  	[bflag:$0x0] =	sbarrier.arrive $0xFFFF  }
0x1bc: {  	_ =	strace $0x90000047  }
0x1bd: {  	s0 =	stileid.u32;
	[bflag:$0x2] =	sbarrier.arrive $0xFFFF  }
0x1be: {  	p0 =	sne.s32 s0, $0x0;
	s0 =	rddreg [dreg:$0x3]  }
0x1bf: {  	s0 =	sadd.s32 @!p0 $0x100000, s0  }
0x1c0: {  	[sflag:s0] =	ssyncadd.tile.s32 @!p0 $0x1;
	_ =	shalt  }
.Lfunc_end2:
_tile_overlayer_lowered:
.L_overlay_start_2:
0x1c1: {  	(tag) =	ssettag $0x2  }
0x1c2: {  	s0 =	rddreg [dreg:$0x0];
	s2 =	stileid.u32  }
0x1c3: {  	s1 =	rddreg [dreg:$0x1];
	p0 =	sne.s32 s2, $0x0  }
0x1c4: {  	s3 =	rddreg [dreg:$0x2];
	[bflag:$0x3] =	sbarrier.arrive $0xFFFF;
	s2 =	simm.s32 @!p0 $0x1C11  }
0x1c5: {  	[timem:s3], [sflag:s2] =	dma.local @!p0 [hbm:s0], s1  }
0x1c6: {  	s0 =	simm.s32 @!p0 $0x11  }
0x1c7: {  	_ =	swait.ge @!p0 [sflag:s0], s1  }
0x1c8: {  	s1 =	ssub.s32 @!p0 $0x0, s1;
	[sflag:s0] =	ssyncset.done @!p0 $0x0  }
0x1c9: {  	[sflag:s0] =	ssyncadd.s32 @!p0 s1  }
0x1ca: {  	[bflag:$0x3] =	sbarrier.arrive $0xFFFF  }
0x1cb: {  	_ =	shalt  }

</sc_bundles>
